<compile_context>
chip_gen: v7x
topology: tpu7x:2x2x1
jax: 0.10.2.dev20260603
libtpu: 0.0.44.dev20260713+nightly
codegen_flags: <defaults>
</compile_context>

<pallas_src>
import math
import jax
import jax.numpy as jnp
from jax import lax
from jax.experimental import pallas as pl
from jax.experimental.pallas import tpu as pltpu
from jax.experimental.pallas import tpu_sc as plsc

D = 128
SCALE = math.sqrt(D)
W = 128
N_WORKERS = 32


def _seg_embedding_sc(xi, pi, si, word_emb, pos_emb, seg_emb):
    n_tok = xi.shape[0]
    per_w = n_tok // N_WORKERS
    n_chunks = per_w // W
    max_len = pos_emb.shape[0]
    max_seg = seg_emb.shape[0]
    mesh = plsc.VectorSubcoreMesh(core_axis_name="core",
                                  subcore_axis_name="subcore")

    @pl.kernel(
        out_type=jax.ShapeDtypeStruct((n_tok, D), jnp.float32),
        mesh=mesh,
        scratch_types=[
            pltpu.VMEM_SHARED((max_len, D), jnp.float32),
            pltpu.VMEM_SHARED((max_seg, D), jnp.float32),
            pltpu.VMEM((per_w,), jnp.int32),
            pltpu.VMEM((per_w,), jnp.int32),
            pltpu.VMEM((W,), jnp.int32),
            pltpu.VMEM((W,), jnp.int32),
            pltpu.VMEM((W, D), jnp.float32),
            pltpu.VMEM((W, D), jnp.float32),
            pltpu.VMEM((W, D), jnp.float32),
            pltpu.VMEM((W, D), jnp.float32),
            pltpu.SemaphoreType.DMA,
            pltpu.SemaphoreType.DMA,
            pltpu.SemaphoreType.DMA,
            pltpu.SemaphoreType.DMA,
            pltpu.SemaphoreType.DMA,
            pltpu.SemaphoreType.DMA,
            pltpu.SemaphoreType.DMA,
            pltpu.SemaphoreType.DMA,
            pltpu.SemaphoreType.DMA,
            pltpu.SemaphoreType.DMA,
        ],
    )
    def kern(word_hbm, pos_hbm, seg_hbm, xi_hbm, pi_hbm, si_hbm, o_hbm,
             pos_sh, seg_sh, pv, sv, ix0, ix1, w0, w1, ps0, ps1,
             six0, six1, sw0, sw1, sp0, sp1, ss0, ss1, so0, so1):
        sid = lax.axis_index("subcore")
        wid = lax.axis_index("core") * 16 + sid
        base = wid * per_w
        ixbuf = (ix0, ix1)
        wbuf = (w0, w1)
        psbuf = (ps0, ps1)
        six = (six0, six1)
        sw = (sw0, sw1)
        sp = (sp0, sp1)
        ss = (ss0, ss1)
        so = (so0, so1)

        c_ix0 = pltpu.async_copy(xi_hbm.at[pl.ds(base, W)], ix0, six0)
        c_ix1 = pltpu.async_copy(xi_hbm.at[pl.ds(base + W, W)], ix1, six1)
        c_pv = pltpu.async_copy(pi_hbm.at[pl.ds(base, per_w)], pv, sp0)
        c_sv = pltpu.async_copy(si_hbm.at[pl.ds(base, per_w)], sv, ss0)
        c_ix0.wait()
        pltpu.async_copy(word_hbm.at[ix0], w0, sw0)

        pr = (max_len // 16) // 8 * 8
        sr = (max_seg // 16) // 8 * 8
        pltpu.sync_copy(pos_hbm.at[pl.ds(sid * pr, pr)],
                        pos_sh.at[pl.ds(sid * pr, pr)])
        pltpu.sync_copy(seg_hbm.at[pl.ds(sid * sr, sr)],
                        seg_sh.at[pl.ds(sid * sr, sr)])

        prem = max_len - 16 * pr
        srem = max_seg - 16 * sr
        if prem:
            @pl.when(sid == 0)
            def _():
                pltpu.sync_copy(pos_hbm.at[pl.ds(16 * pr, prem)],
                                pos_sh.at[pl.ds(16 * pr, prem)])
        if srem:
            @pl.when(sid == 1)
            def _():
                pltpu.sync_copy(seg_hbm.at[pl.ds(16 * sr, srem)],
                                seg_sh.at[pl.ds(16 * sr, srem)])

        plsc.subcore_barrier()
        c_pv.wait()
        c_sv.wait()

        def load_ix(c, q):
            pltpu.async_copy(xi_hbm.at[pl.ds(base + c * W, W)],
                             ixbuf[q], six[q])

        def issue_w(q):
            pltpu.async_copy(word_hbm.at[ixbuf[q]], wbuf[q], sw[q])

        def issue_p(c, q):
            pltpu.async_copy(pos_sh.at[pv.at[pl.ds(c * W, W)]],
                             psbuf[q], sp[q])

        def issue_s(c, q):
            pltpu.async_copy(seg_sh.at[sv.at[pl.ds(c * W, W)]],
                             psbuf[q], ss[q], add=True)

        def wait_rows(sem, buf):
            pltpu.make_async_copy(o_hbm.at[pl.ds(0, W)], buf, sem).wait()

        def wait_ix(q):
            pltpu.make_async_copy(xi_hbm.at[pl.ds(0, W)], ixbuf[q],
                                  six[q]).wait()

        issue_p(0, 0)
        wait_rows(sp[0], psbuf[0])
        issue_s(0, 0)

        def body(c, q):
            @pl.when(c + 1 < n_chunks)
            def _():
                wait_ix(1 - q)
                issue_w(1 - q)

            wait_rows(sw[q], wbuf[q])

            @pl.when(c + 2 < n_chunks)
            def _():
                load_ix(c + 2, q)

            wait_rows(ss[q], psbuf[q])

            @pl.when(c + 1 < n_chunks)
            def _():
                @pl.when(c >= 1)
                def _():
                    pltpu.make_async_copy(
                        psbuf[1 - q], o_hbm.at[pl.ds(base, W)],
                        so[1 - q]).wait()

                issue_p(c + 1, 1 - q)

            @plsc.parallel_loop(0, W, step=1, unroll=4)
            def _(r):
                for col in range(0, D, 16):
                    sl = (r, pl.ds(col, 16))
                    psbuf[q][sl] = wbuf[q][sl] * SCALE + psbuf[q][sl]

            pltpu.async_copy(psbuf[q], o_hbm.at[pl.ds(base + c * W, W)],
                             so[q])

            @pl.when(c + 1 < n_chunks)
            def _():
                wait_rows(sp[1 - q], psbuf[1 - q])
                issue_s(c + 1, 1 - q)

        @pl.loop(0, n_chunks, step=2)
        def _(c):
            body(c, 0)
            body(c + 1, 1)

        pltpu.make_async_copy(psbuf[0], o_hbm.at[pl.ds(base, W)], so[0]).wait()
        pltpu.make_async_copy(psbuf[1], o_hbm.at[pl.ds(base, W)], so[1]).wait()

    return kern(word_emb, pos_emb, seg_emb, xi, pi, si)


def kernel(x, pos, seg, word_emb, pos_emb, seg_emb):
    b, l = x.shape
    n_tok = b * l
    xi = x.reshape(n_tok).astype(jnp.int32)
    pi = pos.reshape(n_tok).astype(jnp.int32)
    si = seg.reshape(n_tok).astype(jnp.int32)
    out = _seg_embedding_sc(xi, pi, si, word_emb, pos_emb, seg_emb)
    return out.reshape(b, l, D)

# --- scband reference (transcript-rebuilt; emitter-appended) ---
"""Pipeline reference for scband-segembedding-58901181497911 (READ-ONLY COPY).

The authoritative reference and input builder live on the scoring server;
editing this copy changes nothing except your own understanding.
"""

import jax, jax.numpy as jnp
import numpy as np
import math

VOCAB = 100000
D_MODEL = 128
MAX_LEN = 5000
MAX_SEG = 1000
B, L = 1024, 200

def setup_inputs(seed: int = 0) -> dict:
    key = jax.random.key(seed)
    k1, k2, k3, k4, k5, k6 = jax.random.split(key, 6)
    x = jax.random.randint(k1, (B, L), 0, VOCAB, dtype=jnp.int64 if jax.config.jax_enable_x64 else jnp.int32)
    pos = jax.random.randint(k2, (B, L), 0, MAX_LEN, dtype=x.dtype)
    seg = jax.random.randint(k3, (B, L), 0, MAX_SEG, dtype=x.dtype)
    word_emb = jax.random.normal(k4, (VOCAB, D_MODEL), dtype=jnp.float32)
    pos_emb = jax.random.normal(k5, (MAX_LEN, D_MODEL), dtype=jnp.float32)
    seg_emb = jax.random.normal(k6, (MAX_SEG, D_MODEL), dtype=jnp.float32)
    return {"x": x, "pos": pos, "seg": seg, "word_emb": word_emb, "pos_emb": pos_emb, "seg_emb": seg_emb}

def reference(x, pos, seg, word_emb, pos_emb, seg_emb):
    # word embedding lookup scaled by sqrt(d_model)
    out = jnp.take(word_emb, x, axis=0) * math.sqrt(D_MODEL)
    out = out + jnp.take(pos_emb, pos, axis=0)
    out = out + jnp.take(seg_emb, seg, axis=0)
    # dropout is identity in eval/reference mode
    return out

if __name__ == "__main__":
    import jax
    _d = setup_inputs()
    print(jax.jit(kernel)(*tuple(_d.values())))

</pallas_src>

<mosaic_0001>
#map = affine_map<(d0, d1) -> (0, 0)>
#map1 = affine_map<(d0, d1) -> (0)>
module attributes {stable_mosaic.version = 14 : i64} {
  func.func @kern(%arg0: i32, %arg1: i32, %arg2: memref<100000x128xf32, #tpu.memory_space<hbm>>, %arg3: memref<5000x128xf32, #tpu.memory_space<hbm>>, %arg4: memref<1000x128xf32, #tpu.memory_space<hbm>>, %arg5: memref<204800xi32, #tpu.memory_space<hbm>>, %arg6: memref<204800xi32, #tpu.memory_space<hbm>>, %arg7: memref<204800xi32, #tpu.memory_space<hbm>>, %arg8: memref<204800x128xf32, #tpu.memory_space<hbm>>, %arg9: memref<5000x128xf32, #tpu.memory_space<vmem_shared>>, %arg10: memref<1000x128xf32, #tpu.memory_space<vmem_shared>>, %arg11: memref<6400xi32, #tpu.memory_space<vmem>>, %arg12: memref<6400xi32, #tpu.memory_space<vmem>>, %arg13: memref<128xi32, #tpu.memory_space<vmem>>, %arg14: memref<128xi32, #tpu.memory_space<vmem>>, %arg15: memref<128x128xf32, #tpu.memory_space<vmem>>, %arg16: memref<128x128xf32, #tpu.memory_space<vmem>>, %arg17: memref<128x128xf32, #tpu.memory_space<vmem>>, %arg18: memref<128x128xf32, #tpu.memory_space<vmem>>, %arg19: memref<!tpu.dma_semaphore, #tpu.memory_space<semaphore_mem>>, %arg20: memref<!tpu.dma_semaphore, #tpu.memory_space<semaphore_mem>>, %arg21: memref<!tpu.dma_semaphore, #tpu.memory_space<semaphore_mem>>, %arg22: memref<!tpu.dma_semaphore, #tpu.memory_space<semaphore_mem>>, %arg23: memref<!tpu.dma_semaphore, #tpu.memory_space<semaphore_mem>>, %arg24: memref<!tpu.dma_semaphore, #tpu.memory_space<semaphore_mem>>, %arg25: memref<!tpu.dma_semaphore, #tpu.memory_space<semaphore_mem>>, %arg26: memref<!tpu.dma_semaphore, #tpu.memory_space<semaphore_mem>>, %arg27: memref<!tpu.dma_semaphore, #tpu.memory_space<semaphore_mem>>, %arg28: memref<!tpu.dma_semaphore, #tpu.memory_space<semaphore_mem>>) attributes {dimension_semantics = [#tpu.dimension_semantics<core_parallel>, #tpu.dimension_semantics<subcore_parallel>], iteration_bounds = array<i64: 2, 16>, scalar_prefetch = 0 : i64, scratch_operands = 20 : i64, tpu.core_type = #tpu.core_type<sc_vector_subcore>, window_params = [{transform_indices = #map}, {transform_indices = #map}, {transform_indices = #map}, {transform_indices = #map1}, {transform_indices = #map1}, {transform_indices = #map1}, {transform_indices = #map}]} {
    %mul3A = arith.constant 16 : i32
    %mul3A_0 = arith.muli %arg0, %mul3A : i32
    %add3A = arith.addi %mul3A_0, %arg1 : i32
    %mul3A_1 = arith.constant 6400 : i32
    %mul3A_2 = arith.muli %add3A, %mul3A_1 : i32
    %dma_start3A = tpu.memref_slice %arg5[%mul3A_2] : memref<204800xi32, #tpu.memory_space<hbm>> -> memref<128xi32, #tpu.memory_space<hbm>>
    %dma_start3A_3 = tpu.memref_slice %arg5[%mul3A_2] : memref<204800xi32, #tpu.memory_space<hbm>> -> memref<128xi32, #tpu.memory_space<hbm>>
    tpu.enqueue_dma source(%dma_start3A_3 : memref<128xi32, #tpu.memory_space<hbm>>) target(%arg13 : memref<128xi32, #tpu.memory_space<vmem>>) target_semaphore(%arg19 : memref<!tpu.dma_semaphore, #tpu.memory_space<semaphore_mem>>)
    %add3A_4 = arith.constant 128 : i32
    %add3A_5 = arith.addi %mul3A_2, %add3A_4 : i32
    %dma_start3A_6 = tpu.memref_slice %arg5[%add3A_5] : memref<204800xi32, #tpu.memory_space<hbm>> -> memref<128xi32, #tpu.memory_space<hbm>>
    %dma_start3A_7 = tpu.memref_slice %arg5[%add3A_5] : memref<204800xi32, #tpu.memory_space<hbm>> -> memref<128xi32, #tpu.memory_space<hbm>>
    tpu.enqueue_dma source(%dma_start3A_7 : memref<128xi32, #tpu.memory_space<hbm>>) target(%arg14 : memref<128xi32, #tpu.memory_space<vmem>>) target_semaphore(%arg20 : memref<!tpu.dma_semaphore, #tpu.memory_space<semaphore_mem>>)
    %dma_start3A_8 = tpu.memref_slice %arg6[%mul3A_2] : memref<204800xi32, #tpu.memory_space<hbm>> -> memref<6400xi32, #tpu.memory_space<hbm>>
    %dma_start3A_9 = tpu.memref_slice %arg6[%mul3A_2] : memref<204800xi32, #tpu.memory_space<hbm>> -> memref<6400xi32, #tpu.memory_space<hbm>>
    tpu.enqueue_dma source(%dma_start3A_9 : memref<6400xi32, #tpu.memory_space<hbm>>) target(%arg11 : memref<6400xi32, #tpu.memory_space<vmem>>) target_semaphore(%arg23 : memref<!tpu.dma_semaphore, #tpu.memory_space<semaphore_mem>>)
    %dma_start3A_10 = tpu.memref_slice %arg7[%mul3A_2] : memref<204800xi32, #tpu.memory_space<hbm>> -> memref<6400xi32, #tpu.memory_space<hbm>>
    %dma_start3A_11 = tpu.memref_slice %arg7[%mul3A_2] : memref<204800xi32, #tpu.memory_space<hbm>> -> memref<6400xi32, #tpu.memory_space<hbm>>
    tpu.enqueue_dma source(%dma_start3A_11 : memref<6400xi32, #tpu.memory_space<hbm>>) target(%arg12 : memref<6400xi32, #tpu.memory_space<vmem>>) target_semaphore(%arg25 : memref<!tpu.dma_semaphore, #tpu.memory_space<semaphore_mem>>)
    %dma_wait3A = tpu.memref_slice %arg5[%mul3A_2] : memref<204800xi32, #tpu.memory_space<hbm>> -> memref<128xi32, #tpu.memory_space<hbm>>
    %dma_wait3A_12 = tpu.memref_slice %arg5[%mul3A_2] : memref<204800xi32, #tpu.memory_space<hbm>> -> memref<128xi32, #tpu.memory_space<hbm>>
    tpu.wait_dma2 semaphore(%arg19 : memref<!tpu.dma_semaphore, #tpu.memory_space<semaphore_mem>>) src(%dma_wait3A_12 : memref<128xi32, #tpu.memory_space<hbm>>) dst(%arg13 : memref<128xi32, #tpu.memory_space<vmem>>)
    %dma_start3A_13 = arith.constant 0 : i32
    %dma_start3A_14 = arith.constant 0 : i32
    %dma_start3A_15 = tpu.memref_slice %arg2[%dma_start3A_13, %dma_start3A_14] : memref<100000x128xf32, #tpu.memory_space<hbm>> -> memref<100000x128xf32, #tpu.memory_space<hbm>>
    tpu.enqueue_indirect_dma source(%dma_start3A_15 : memref<100000x128xf32, #tpu.memory_space<hbm>>) target(%arg15 : memref<128x128xf32, #tpu.memory_space<vmem>>) offsets(%arg13 : memref<128xi32, #tpu.memory_space<vmem>>) semaphore(%arg21 : memref<!tpu.dma_semaphore, #tpu.memory_space<semaphore_mem>>)
    %mul3A_16 = arith.constant 312 : i32
    %mul3A_17 = arith.muli %arg1, %mul3A_16 : i32
    %mul3A_18 = arith.constant 312 : i32
    %mul3A_19 = arith.muli %arg1, %mul3A_18 : i32
    "tpu.region"() ({
      %run_scoped3A = tpu.sem_alloc : memref<!tpu.dma_semaphore, #tpu.memory_space<semaphore_mem>>
      %dma_start3A_63 = arith.constant 0 : i32
      %dma_start3A_64 = tpu.memref_slice %arg9[%mul3A_19, %dma_start3A_63] : memref<5000x128xf32, #tpu.memory_space<vmem_shared>> -> memref<312x128xf32, #tpu.memory_space<vmem_shared>>
      %dma_start3A_65 = arith.constant 0 : i32
      %dma_start3A_66 = tpu.memref_slice %arg3[%mul3A_17, %dma_start3A_65] : memref<5000x128xf32, #tpu.memory_space<hbm>> -> memref<312x128xf32, #tpu.memory_space<hbm>>
      tpu.enqueue_dma source(%dma_start3A_66 : memref<312x128xf32, #tpu.memory_space<hbm>>) target(%dma_start3A_64 : memref<312x128xf32, #tpu.memory_space<vmem_shared>>) target_semaphore(%run_scoped3A : memref<!tpu.dma_semaphore, #tpu.memory_space<semaphore_mem>>)
      %dma_wait3A_67 = arith.constant 0 : i32
      %dma_wait3A_68 = tpu.memref_slice %arg9[%mul3A_19, %dma_wait3A_67] : memref<5000x128xf32, #tpu.memory_space<vmem_shared>> -> memref<312x128xf32, #tpu.memory_space<vmem_shared>>
      %dma_wait3A_69 = arith.constant 0 : i32
      %dma_wait3A_70 = tpu.memref_slice %arg3[%mul3A_17, %dma_wait3A_69] : memref<5000x128xf32, #tpu.memory_space<hbm>> -> memref<312x128xf32, #tpu.memory_space<hbm>>
      tpu.wait_dma2 semaphore(%run_scoped3A : memref<!tpu.dma_semaphore, #tpu.memory_space<semaphore_mem>>) src(%dma_wait3A_70 : memref<312x128xf32, #tpu.memory_space<hbm>>) dst(%dma_wait3A_68 : memref<312x128xf32, #tpu.memory_space<vmem_shared>>)
      tpu.yield
    }) : () -> ()
    %mul3A_20 = arith.constant 56 : i32
    %mul3A_21 = arith.muli %arg1, %mul3A_20 : i32
    %mul3A_22 = arith.constant 56 : i32
    %mul3A_23 = arith.muli %arg1, %mul3A_22 : i32
    "tpu.region"() ({
      %run_scoped3A = tpu.sem_alloc : memref<!tpu.dma_semaphore, #tpu.memory_space<semaphore_mem>>
      %dma_start3A_63 = arith.constant 0 : i32
      %dma_start3A_64 = tpu.memref_slice %arg10[%mul3A_23, %dma_start3A_63] : memref<1000x128xf32, #tpu.memory_space<vmem_shared>> -> memref<56x128xf32, #tpu.memory_space<vmem_shared>>
      %dma_start3A_65 = arith.constant 0 : i32
      %dma_start3A_66 = tpu.memref_slice %arg4[%mul3A_21, %dma_start3A_65] : memref<1000x128xf32, #tpu.memory_space<hbm>> -> memref<56x128xf32, #tpu.memory_space<hbm>>
      tpu.enqueue_dma source(%dma_start3A_66 : memref<56x128xf32, #tpu.memory_space<hbm>>) target(%dma_start3A_64 : memref<56x128xf32, #tpu.memory_space<vmem_shared>>) target_semaphore(%run_scoped3A : memref<!tpu.dma_semaphore, #tpu.memory_space<semaphore_mem>>)
      %dma_wait3A_67 = arith.constant 0 : i32
      %dma_wait3A_68 = tpu.memref_slice %arg10[%mul3A_23, %dma_wait3A_67] : memref<1000x128xf32, #tpu.memory_space<vmem_shared>> -> memref<56x128xf32, #tpu.memory_space<vmem_shared>>
      %dma_wait3A_69 = arith.constant 0 : i32
      %dma_wait3A_70 = tpu.memref_slice %arg4[%mul3A_21, %dma_wait3A_69] : memref<1000x128xf32, #tpu.memory_space<hbm>> -> memref<56x128xf32, #tpu.memory_space<hbm>>
      tpu.wait_dma2 semaphore(%run_scoped3A : memref<!tpu.dma_semaphore, #tpu.memory_space<semaphore_mem>>) src(%dma_wait3A_70 : memref<56x128xf32, #tpu.memory_space<hbm>>) dst(%dma_wait3A_68 : memref<56x128xf32, #tpu.memory_space<vmem_shared>>)
      tpu.yield
    }) : () -> ()
    %eq3A = arith.constant 0 : i32
    %eq3A_24 = arith.cmpi eq, %arg1, %eq3A : i32
    %convert_element_type3A = arith.extui %eq3A_24 : i1 to i32
    %cond3A = arith.constant 0 : i32
    %cond3A_25 = arith.cmpi ne, %convert_element_type3A, %cond3A : i32
    scf.if %cond3A_25 {
      "tpu.region"() ({
        %run_scoped3A = tpu.sem_alloc : memref<!tpu.dma_semaphore, #tpu.memory_space<semaphore_mem>>
        %dma_start3A_63 = arith.constant 4992 : i32
        %dma_start3A_64 = arith.constant 0 : i32
        %dma_start3A_65 = tpu.memref_slice %arg9[%dma_start3A_63, %dma_start3A_64] : memref<5000x128xf32, #tpu.memory_space<vmem_shared>> -> memref<8x128xf32, #tpu.memory_space<vmem_shared>>
        %dma_start3A_66 = arith.constant 4992 : i32
        %dma_start3A_67 = arith.constant 0 : i32
        %dma_start3A_68 = tpu.memref_slice %arg3[%dma_start3A_66, %dma_start3A_67] : memref<5000x128xf32, #tpu.memory_space<hbm>> -> memref<8x128xf32, #tpu.memory_space<hbm>>
        tpu.enqueue_dma source(%dma_start3A_68 : memref<8x128xf32, #tpu.memory_space<hbm>>) target(%dma_start3A_65 : memref<8x128xf32, #tpu.memory_space<vmem_shared>>) target_semaphore(%run_scoped3A : memref<!tpu.dma_semaphore, #tpu.memory_space<semaphore_mem>>)
        %dma_wait3A_69 = arith.constant 4992 : i32
        %dma_wait3A_70 = arith.constant 0 : i32
        %dma_wait3A_71 = tpu.memref_slice %arg9[%dma_wait3A_69, %dma_wait3A_70] : memref<5000x128xf32, #tpu.memory_space<vmem_shared>> -> memref<8x128xf32, #tpu.memory_space<vmem_shared>>
        %dma_wait3A_72 = arith.constant 4992 : i32
        %dma_wait3A_73 = arith.constant 0 : i32
        %dma_wait3A_74 = tpu.memref_slice %arg3[%dma_wait3A_72, %dma_wait3A_73] : memref<5000x128xf32, #tpu.memory_space<hbm>> -> memref<8x128xf32, #tpu.memory_space<hbm>>
        tpu.wait_dma2 semaphore(%run_scoped3A : memref<!tpu.dma_semaphore, #tpu.memory_space<semaphore_mem>>) src(%dma_wait3A_74 : memref<8x128xf32, #tpu.memory_space<hbm>>) dst(%dma_wait3A_71 : memref<8x128xf32, #tpu.memory_space<vmem_shared>>)
        tpu.yield
      }) : () -> ()
    } else {
    }
    %eq3A_26 = arith.constant 1 : i32
    %eq3A_27 = arith.cmpi eq, %arg1, %eq3A_26 : i32
    %convert_element_type3A_28 = arith.extui %eq3A_27 : i1 to i32
    %cond3A_29 = arith.constant 0 : i32
    %cond3A_30 = arith.cmpi ne, %convert_element_type3A_28, %cond3A_29 : i32
    scf.if %cond3A_30 {
      "tpu.region"() ({
        %run_scoped3A = tpu.sem_alloc : memref<!tpu.dma_semaphore, #tpu.memory_space<semaphore_mem>>
        %dma_start3A_63 = arith.constant 896 : i32
        %dma_start3A_64 = arith.constant 0 : i32
        %dma_start3A_65 = tpu.memref_slice %arg10[%dma_start3A_63, %dma_start3A_64] : memref<1000x128xf32, #tpu.memory_space<vmem_shared>> -> memref<104x128xf32, #tpu.memory_space<vmem_shared>>
        %dma_start3A_66 = arith.constant 896 : i32
        %dma_start3A_67 = arith.constant 0 : i32
        %dma_start3A_68 = tpu.memref_slice %arg4[%dma_start3A_66, %dma_start3A_67] : memref<1000x128xf32, #tpu.memory_space<hbm>> -> memref<104x128xf32, #tpu.memory_space<hbm>>
        tpu.enqueue_dma source(%dma_start3A_68 : memref<104x128xf32, #tpu.memory_space<hbm>>) target(%dma_start3A_65 : memref<104x128xf32, #tpu.memory_space<vmem_shared>>) target_semaphore(%run_scoped3A : memref<!tpu.dma_semaphore, #tpu.memory_space<semaphore_mem>>)
        %dma_wait3A_69 = arith.constant 896 : i32
        %dma_wait3A_70 = arith.constant 0 : i32
        %dma_wait3A_71 = tpu.memref_slice %arg10[%dma_wait3A_69, %dma_wait3A_70] : memref<1000x128xf32, #tpu.memory_space<vmem_shared>> -> memref<104x128xf32, #tpu.memory_space<vmem_shared>>
        %dma_wait3A_72 = arith.constant 896 : i32
        %dma_wait3A_73 = arith.constant 0 : i32
        %dma_wait3A_74 = tpu.memref_slice %arg4[%dma_wait3A_72, %dma_wait3A_73] : memref<1000x128xf32, #tpu.memory_space<hbm>> -> memref<104x128xf32, #tpu.memory_space<hbm>>
        tpu.wait_dma2 semaphore(%run_scoped3A : memref<!tpu.dma_semaphore, #tpu.memory_space<semaphore_mem>>) src(%dma_wait3A_74 : memref<104x128xf32, #tpu.memory_space<hbm>>) dst(%dma_wait3A_71 : memref<104x128xf32, #tpu.memory_space<vmem_shared>>)
        tpu.yield
      }) : () -> ()
    } else {
    }
    %barrier3A = arith.constant 0 : index
    tpu.barrier barrier_id(%barrier3A)
    %dma_wait3A_31 = tpu.memref_slice %arg6[%mul3A_2] : memref<204800xi32, #tpu.memory_space<hbm>> -> memref<6400xi32, #tpu.memory_space<hbm>>
    %dma_wait3A_32 = tpu.memref_slice %arg6[%mul3A_2] : memref<204800xi32, #tpu.memory_space<hbm>> -> memref<6400xi32, #tpu.memory_space<hbm>>
    tpu.wait_dma2 semaphore(%arg23 : memref<!tpu.dma_semaphore, #tpu.memory_space<semaphore_mem>>) src(%dma_wait3A_32 : memref<6400xi32, #tpu.memory_space<hbm>>) dst(%arg11 : memref<6400xi32, #tpu.memory_space<vmem>>)
    %dma_wait3A_33 = tpu.memref_slice %arg7[%mul3A_2] : memref<204800xi32, #tpu.memory_space<hbm>> -> memref<6400xi32, #tpu.memory_space<hbm>>
    %dma_wait3A_34 = tpu.memref_slice %arg7[%mul3A_2] : memref<204800xi32, #tpu.memory_space<hbm>> -> memref<6400xi32, #tpu.memory_space<hbm>>
    tpu.wait_dma2 semaphore(%arg25 : memref<!tpu.dma_semaphore, #tpu.memory_space<semaphore_mem>>) src(%dma_wait3A_34 : memref<6400xi32, #tpu.memory_space<hbm>>) dst(%arg12 : memref<6400xi32, #tpu.memory_space<vmem>>)
    %dma_start3A_35 = arith.constant 0 : i32
    %dma_start3A_36 = tpu.memref_slice %arg11[%dma_start3A_35] : memref<6400xi32, #tpu.memory_space<vmem>> -> memref<128xi32, #tpu.memory_space<vmem>>
    %dma_start3A_37 = arith.constant 0 : i32
    %dma_start3A_38 = arith.constant 0 : i32
    %dma_start3A_39 = tpu.memref_slice %arg9[%dma_start3A_37, %dma_start3A_38] : memref<5000x128xf32, #tpu.memory_space<vmem_shared>> -> memref<5000x128xf32, #tpu.memory_space<vmem_shared>>
    tpu.enqueue_indirect_dma source(%dma_start3A_39 : memref<5000x128xf32, #tpu.memory_space<vmem_shared>>) target(%arg17 : memref<128x128xf32, #tpu.memory_space<vmem>>) offsets(%dma_start3A_36 : memref<128xi32, #tpu.memory_space<vmem>>) semaphore(%arg23 : memref<!tpu.dma_semaphore, #tpu.memory_space<semaphore_mem>>)
    %dma_wait3A_40 = arith.constant 0 : i32
    %dma_wait3A_41 = arith.constant 0 : i32
    %dma_wait3A_42 = tpu.memref_slice %arg8[%dma_wait3A_40, %dma_wait3A_41] : memref<204800x128xf32, #tpu.memory_space<hbm>> -> memref<128x128xf32, #tpu.memory_space<hbm>>
    %dma_wait3A_43 = arith.constant 0 : i32
    %dma_wait3A_44 = arith.constant 0 : i32
    %dma_wait3A_45 = tpu.memref_slice %arg8[%dma_wait3A_43, %dma_wait3A_44] : memref<204800x128xf32, #tpu.memory_space<hbm>> -> memref<128x128xf32, #tpu.memory_space<hbm>>
    tpu.wait_dma2 semaphore(%arg23 : memref<!tpu.dma_semaphore, #tpu.memory_space<semaphore_mem>>) src(%dma_wait3A_45 : memref<128x128xf32, #tpu.memory_space<hbm>>) dst(%arg17 : memref<128x128xf32, #tpu.memory_space<vmem>>)
    %dma_start3A_46 = arith.constant 0 : i32
    %dma_start3A_47 = tpu.memref_slice %arg12[%dma_start3A_46] : memref<6400xi32, #tpu.memory_space<vmem>> -> memref<128xi32, #tpu.memory_space<vmem>>
    %dma_start3A_48 = arith.constant 0 : i32
    %dma_start3A_49 = arith.constant 0 : i32
    %dma_start3A_50 = tpu.memref_slice %arg10[%dma_start3A_48, %dma_start3A_49] : memref<1000x128xf32, #tpu.memory_space<vmem_shared>> -> memref<1000x128xf32, #tpu.memory_space<vmem_shared>>
    tpu.enqueue_indirect_dma source(%dma_start3A_50 : memref<1000x128xf32, #tpu.memory_space<vmem_shared>>) target(%arg17 : memref<128x128xf32, #tpu.memory_space<vmem>>) offsets(%dma_start3A_47 : memref<128xi32, #tpu.memory_space<vmem>>) semaphore(%arg25 : memref<!tpu.dma_semaphore, #tpu.memory_space<semaphore_mem>>) {add = true}
    %scan3A = arith.constant 0 : i32
    %scan3A_51 = arith.constant 25 : i32
    %scan3A_52 = arith.addi %scan3A, %scan3A_51 : i32
    %scan3A_53 = arith.constant 1 : i32
    scf.for %scan3A_63 = %scan3A to %scan3A_52 step %scan3A_53  : i32 {
      %mul3A_64 = arith.constant 2 : i32
      %mul3A_65 = arith.muli %scan3A_63, %mul3A_64 : i32
      %add3A_66 = arith.constant 0 : i32
      %add3A_67 = arith.addi %add3A_66, %mul3A_65 : i32
      %add3A_68 = arith.constant 1 : i32
      %add3A_69 = arith.addi %add3A_67, %add3A_68 : i32
      %lt3A = arith.constant 50 : i32
      %lt3A_70 = arith.cmpi slt, %add3A_69, %lt3A : i32
      %convert_element_type3A_71 = arith.extui %lt3A_70 : i1 to i32
      %cond3A_72 = arith.constant 0 : i32
      %cond3A_73 = arith.cmpi ne, %convert_element_type3A_71, %cond3A_72 : i32
      scf.if %cond3A_73 {
        %dma_wait3A_168 = arith.constant 0 : i32
        %dma_wait3A_169 = tpu.memref_slice %arg5[%dma_wait3A_168] : memref<204800xi32, #tpu.memory_space<hbm>> -> memref<128xi32, #tpu.memory_space<hbm>>
        %dma_wait3A_170 = arith.constant 0 : i32
        %dma_wait3A_171 = tpu.memref_slice %arg5[%dma_wait3A_170] : memref<204800xi32, #tpu.memory_space<hbm>> -> memref<128xi32, #tpu.memory_space<hbm>>
        tpu.wait_dma2 semaphore(%arg20 : memref<!tpu.dma_semaphore, #tpu.memory_space<semaphore_mem>>) src(%dma_wait3A_171 : memref<128xi32, #tpu.memory_space<hbm>>) dst(%arg14 : memref<128xi32, #tpu.memory_space<vmem>>)
        %dma_start3A_172 = arith.constant 0 : i32
        %dma_start3A_173 = arith.constant 0 : i32
        %dma_start3A_174 = tpu.memref_slice %arg2[%dma_start3A_172, %dma_start3A_173] : memref<100000x128xf32, #tpu.memory_space<hbm>> -> memref<100000x128xf32, #tpu.memory_space<hbm>>
        tpu.enqueue_indirect_dma source(%dma_start3A_174 : memref<100000x128xf32, #tpu.memory_space<hbm>>) target(%arg16 : memref<128x128xf32, #tpu.memory_space<vmem>>) offsets(%arg14 : memref<128xi32, #tpu.memory_space<vmem>>) semaphore(%arg22 : memref<!tpu.dma_semaphore, #tpu.memory_space<semaphore_mem>>)
      } else {
      }
      %dma_wait3A_74 = arith.constant 0 : i32
      %dma_wait3A_75 = arith.constant 0 : i32
      %dma_wait3A_76 = tpu.memref_slice %arg8[%dma_wait3A_74, %dma_wait3A_75] : memref<204800x128xf32, #tpu.memory_space<hbm>> -> memref<128x128xf32, #tpu.memory_space<hbm>>
      %dma_wait3A_77 = arith.constant 0 : i32
      %dma_wait3A_78 = arith.constant 0 : i32
      %dma_wait3A_79 = tpu.memref_slice %arg8[%dma_wait3A_77, %dma_wait3A_78] : memref<204800x128xf32, #tpu.memory_space<hbm>> -> memref<128x128xf32, #tpu.memory_space<hbm>>
      tpu.wait_dma2 semaphore(%arg21 : memref<!tpu.dma_semaphore, #tpu.memory_space<semaphore_mem>>) src(%dma_wait3A_79 : memref<128x128xf32, #tpu.memory_space<hbm>>) dst(%arg15 : memref<128x128xf32, #tpu.memory_space<vmem>>)
      %add3A_80 = arith.constant 2 : i32
      %add3A_81 = arith.addi %add3A_67, %add3A_80 : i32
      %lt3A_82 = arith.constant 50 : i32
      %lt3A_83 = arith.cmpi slt, %add3A_81, %lt3A_82 : i32
      %convert_element_type3A_84 = arith.extui %lt3A_83 : i1 to i32
      %cond3A_85 = arith.constant 0 : i32
      %cond3A_86 = arith.cmpi ne, %convert_element_type3A_84, %cond3A_85 : i32
      scf.if %cond3A_86 {
        %add3A_168 = arith.constant 2 : i32
        %add3A_169 = arith.addi %add3A_67, %add3A_168 : i32
        %mul3A_170 = arith.constant 128 : i32
        %mul3A_171 = arith.muli %add3A_169, %mul3A_170 : i32
        %add3A_172 = arith.addi %mul3A_2, %mul3A_171 : i32
        %dma_start3A_173 = tpu.memref_slice %arg5[%add3A_172] : memref<204800xi32, #tpu.memory_space<hbm>> -> memref<128xi32, #tpu.memory_space<hbm>>
        %dma_start3A_174 = tpu.memref_slice %arg5[%add3A_172] : memref<204800xi32, #tpu.memory_space<hbm>> -> memref<128xi32, #tpu.memory_space<hbm>>
        tpu.enqueue_dma source(%dma_start3A_174 : memref<128xi32, #tpu.memory_space<hbm>>) target(%arg13 : memref<128xi32, #tpu.memory_space<vmem>>) target_semaphore(%arg19 : memref<!tpu.dma_semaphore, #tpu.memory_space<semaphore_mem>>)
      } else {
      }
      %dma_wait3A_87 = arith.constant 0 : i32
      %dma_wait3A_88 = arith.constant 0 : i32
      %dma_wait3A_89 = tpu.memref_slice %arg8[%dma_wait3A_87, %dma_wait3A_88] : memref<204800x128xf32, #tpu.memory_space<hbm>> -> memref<128x128xf32, #tpu.memory_space<hbm>>
      %dma_wait3A_90 = arith.constant 0 : i32
      %dma_wait3A_91 = arith.constant 0 : i32
      %dma_wait3A_92 = tpu.memref_slice %arg8[%dma_wait3A_90, %dma_wait3A_91] : memref<204800x128xf32, #tpu.memory_space<hbm>> -> memref<128x128xf32, #tpu.memory_space<hbm>>
      tpu.wait_dma2 semaphore(%arg25 : memref<!tpu.dma_semaphore, #tpu.memory_space<semaphore_mem>>) src(%dma_wait3A_92 : memref<128x128xf32, #tpu.memory_space<hbm>>) dst(%arg17 : memref<128x128xf32, #tpu.memory_space<vmem>>)
      %add3A_93 = arith.constant 1 : i32
      %add3A_94 = arith.addi %add3A_67, %add3A_93 : i32
      %lt3A_95 = arith.constant 50 : i32
      %lt3A_96 = arith.cmpi slt, %add3A_94, %lt3A_95 : i32
      %convert_element_type3A_97 = arith.extui %lt3A_96 : i1 to i32
      %cond3A_98 = arith.constant 0 : i32
      %cond3A_99 = arith.cmpi ne, %convert_element_type3A_97, %cond3A_98 : i32
      scf.if %cond3A_99 {
        %ge3A = arith.constant 1 : i32
        %ge3A_168 = arith.cmpi sge, %add3A_67, %ge3A : i32
        %convert_element_type3A_169 = arith.extui %ge3A_168 : i1 to i32
        %cond3A_170 = arith.constant 0 : i32
        %cond3A_171 = arith.cmpi ne, %convert_element_type3A_169, %cond3A_170 : i32
        scf.if %cond3A_171 {
          %dma_wait3A_180 = arith.constant 0 : i32
          %dma_wait3A_181 = tpu.memref_slice %arg8[%mul3A_2, %dma_wait3A_180] : memref<204800x128xf32, #tpu.memory_space<hbm>> -> memref<128x128xf32, #tpu.memory_space<hbm>>
          %dma_wait3A_182 = arith.constant 0 : i32
          %dma_wait3A_183 = tpu.memref_slice %arg8[%mul3A_2, %dma_wait3A_182] : memref<204800x128xf32, #tpu.memory_space<hbm>> -> memref<128x128xf32, #tpu.memory_space<hbm>>
          tpu.wait_dma2 semaphore(%arg28 : memref<!tpu.dma_semaphore, #tpu.memory_space<semaphore_mem>>) src(%arg18 : memref<128x128xf32, #tpu.memory_space<vmem>>) dst(%dma_wait3A_183 : memref<128x128xf32, #tpu.memory_space<hbm>>)
        } else {
        }
        %add3A_172 = arith.constant 1 : i32
        %add3A_173 = arith.addi %add3A_67, %add3A_172 : i32
        %mul3A_174 = arith.constant 128 : i32
        %mul3A_175 = arith.muli %add3A_173, %mul3A_174 : i32
        %dma_start3A_176 = tpu.memref_slice %arg11[%mul3A_175] : memref<6400xi32, #tpu.memory_space<vmem>> -> memref<128xi32, #tpu.memory_space<vmem>>
        %dma_start3A_177 = arith.constant 0 : i32
        %dma_start3A_178 = arith.constant 0 : i32
        %dma_start3A_179 = tpu.memref_slice %arg9[%dma_start3A_177, %dma_start3A_178] : memref<5000x128xf32, #tpu.memory_space<vmem_shared>> -> memref<5000x128xf32, #tpu.memory_space<vmem_shared>>
        tpu.enqueue_indirect_dma source(%dma_start3A_179 : memref<5000x128xf32, #tpu.memory_space<vmem_shared>>) target(%arg18 : memref<128x128xf32, #tpu.memory_space<vmem>>) offsets(%dma_start3A_176 : memref<128xi32, #tpu.memory_space<vmem>>) semaphore(%arg24 : memref<!tpu.dma_semaphore, #tpu.memory_space<semaphore_mem>>)
      } else {
      }
      %parallel_loop3A = arith.constant 0 : i32
      %parallel_loop3A_100 = arith.constant 128 : i32
      %parallel_loop3A_101 = arith.constant 1 : i32
      scf.for %parallel_loop3A_168 = %parallel_loop3A to %parallel_loop3A_100 step %parallel_loop3A_101  : i32 {
        %parallel_loop3A_169 = arith.index_cast %parallel_loop3A_168 : i32 to index
        %parallel_loop3A_170 = arith.constant 0 : index
        %parallel_loop3A_171 = tpu.vector_load %arg15[%parallel_loop3A_169, %parallel_loop3A_170] {strides = array<i32>} : memref<128x128xf32, #tpu.memory_space<vmem>>, vector<1x16xf32>,
        %parallel_loop3A_172 = vector.shape_cast %parallel_loop3A_171 : vector<1x16xf32> to vector<16xf32>
        %parallel_loop3A_173 = arith.constant 11.3137083 : f32
        %parallel_loop3A_174 = vector.broadcast %parallel_loop3A_173 : f32 to vector<16xf32>
        %parallel_loop3A_175 = arith.mulf %parallel_loop3A_172, %parallel_loop3A_174 : vector<16xf32>
        %parallel_loop3A_176 = arith.index_cast %parallel_loop3A_168 : i32 to index
        %parallel_loop3A_177 = arith.constant 0 : index
        %parallel_loop3A_178 = tpu.vector_load %arg17[%parallel_loop3A_176, %parallel_loop3A_177] {strides = array<i32>} : memref<128x128xf32, #tpu.memory_space<vmem>>, vector<1x16xf32>,
        %parallel_loop3A_179 = vector.shape_cast %parallel_loop3A_178 : vector<1x16xf32> to vector<16xf32>
        %parallel_loop3A_180 = arith.addf %parallel_loop3A_175, %parallel_loop3A_179 : vector<16xf32>
        %parallel_loop3A_181 = arith.index_cast %parallel_loop3A_168 : i32 to index
        %parallel_loop3A_182 = arith.constant 0 : index
        %parallel_loop3A_183 = tpu.vector_load %arg17[%parallel_loop3A_181, %parallel_loop3A_182] {strides = array<i32>} : memref<128x128xf32, #tpu.memory_space<vmem>>, vector<1x16xf32>,
        %parallel_loop3A_184 = vector.shape_cast %parallel_loop3A_183 : vector<1x16xf32> to vector<16xf32>
        %parallel_loop3A_185 = vector.shape_cast %parallel_loop3A_180 : vector<16xf32> to vector<1x16xf32>
        tpu.vector_store %arg17[%parallel_loop3A_181, %parallel_loop3A_182], %parallel_loop3A_185 {strides = array<i32>} : memref<128x128xf32, #tpu.memory_space<vmem>>, vector<1x16xf32>,
        %parallel_loop3A_186 = arith.index_cast %parallel_loop3A_168 : i32 to index
        %parallel_loop3A_187 = arith.constant 16 : index
        %parallel_loop3A_188 = tpu.vector_load %arg15[%parallel_loop3A_186, %parallel_loop3A_187] {strides = array<i32>} : memref<128x128xf32, #tpu.memory_space<vmem>>, vector<1x16xf32>,
        %parallel_loop3A_189 = vector.shape_cast %parallel_loop3A_188 : vector<1x16xf32> to vector<16xf32>
        %parallel_loop3A_190 = arith.constant 11.3137083 : f32
        %parallel_loop3A_191 = vector.broadcast %parallel_loop3A_190 : f32 to vector<16xf32>
        %parallel_loop3A_192 = arith.mulf %parallel_loop3A_189, %parallel_loop3A_191 : vector<16xf32>
        %parallel_loop3A_193 = arith.index_cast %parallel_loop3A_168 : i32 to index
        %parallel_loop3A_194 = arith.constant 16 : index
        %parallel_loop3A_195 = tpu.vector_load %arg17[%parallel_loop3A_193, %parallel_loop3A_194] {strides = array<i32>} : memref<128x128xf32, #tpu.memory_space<vmem>>, vector<1x16xf32>,
        %parallel_loop3A_196 = vector.shape_cast %parallel_loop3A_195 : vector<1x16xf32> to vector<16xf32>
        %parallel_loop3A_197 = arith.addf %parallel_loop3A_192, %parallel_loop3A_196 : vector<16xf32>
        %parallel_loop3A_198 = arith.index_cast %parallel_loop3A_168 : i32 to index
        %parallel_loop3A_199 = arith.constant 16 : index
        %parallel_loop3A_200 = tpu.vector_load %arg17[%parallel_loop3A_198, %parallel_loop3A_199] {strides = array<i32>} : memref<128x128xf32, #tpu.memory_space<vmem>>, vector<1x16xf32>,
        %parallel_loop3A_201 = vector.shape_cast %parallel_loop3A_200 : vector<1x16xf32> to vector<16xf32>
        %parallel_loop3A_202 = vector.shape_cast %parallel_loop3A_197 : vector<16xf32> to vector<1x16xf32>
        tpu.vector_store %arg17[%parallel_loop3A_198, %parallel_loop3A_199], %parallel_loop3A_202 {strides = array<i32>} : memref<128x128xf32, #tpu.memory_space<vmem>>, vector<1x16xf32>,
        %parallel_loop3A_203 = arith.index_cast %parallel_loop3A_168 : i32 to index
        %parallel_loop3A_204 = arith.constant 32 : index
        %parallel_loop3A_205 = tpu.vector_load %arg15[%parallel_loop3A_203, %parallel_loop3A_204] {strides = array<i32>} : memref<128x128xf32, #tpu.memory_space<vmem>>, vector<1x16xf32>,
        %parallel_loop3A_206 = vector.shape_cast %parallel_loop3A_205 : vector<1x16xf32> to vector<16xf32>
        %parallel_loop3A_207 = arith.constant 11.3137083 : f32
        %parallel_loop3A_208 = vector.broadcast %parallel_loop3A_207 : f32 to vector<16xf32>
        %parallel_loop3A_209 = arith.mulf %parallel_loop3A_206, %parallel_loop3A_208 : vector<16xf32>
        %parallel_loop3A_210 = arith.index_cast %parallel_loop3A_168 : i32 to index
        %parallel_loop3A_211 = arith.constant 32 : index
        %parallel_loop3A_212 = tpu.vector_load %arg17[%parallel_loop3A_210, %parallel_loop3A_211] {strides = array<i32>} : memref<128x128xf32, #tpu.memory_space<vmem>>, vector<1x16xf32>,
        %parallel_loop3A_213 = vector.shape_cast %parallel_loop3A_212 : vector<1x16xf32> to vector<16xf32>
        %parallel_loop3A_214 = arith.addf %parallel_loop3A_209, %parallel_loop3A_213 : vector<16xf32>
        %parallel_loop3A_215 = arith.index_cast %parallel_loop3A_168 : i32 to index
        %parallel_loop3A_216 = arith.constant 32 : index
        %parallel_loop3A_217 = tpu.vector_load %arg17[%parallel_loop3A_215, %parallel_loop3A_216] {strides = array<i32>} : memref<128x128xf32, #tpu.memory_space<vmem>>, vector<1x16xf32>,
        %parallel_loop3A_218 = vector.shape_cast %parallel_loop3A_217 : vector<1x16xf32> to vector<16xf32>
        %parallel_loop3A_219 = vector.shape_cast %parallel_loop3A_214 : vector<16xf32> to vector<1x16xf32>
        tpu.vector_store %arg17[%parallel_loop3A_215, %parallel_loop3A_216], %parallel_loop3A_219 {strides = array<i32>} : memref<128x128xf32, #tpu.memory_space<vmem>>, vector<1x16xf32>,
        %parallel_loop3A_220 = arith.index_cast %parallel_loop3A_168 : i32 to index
        %parallel_loop3A_221 = arith.constant 48 : index
        %parallel_loop3A_222 = tpu.vector_load %arg15[%parallel_loop3A_220, %parallel_loop3A_221] {strides = array<i32>} : memref<128x128xf32, #tpu.memory_space<vmem>>, vector<1x16xf32>,
        %parallel_loop3A_223 = vector.shape_cast %parallel_loop3A_222 : vector<1x16xf32> to vector<16xf32>
        %parallel_loop3A_224 = arith.constant 11.3137083 : f32
        %parallel_loop3A_225 = vector.broadcast %parallel_loop3A_224 : f32 to vector<16xf32>
        %parallel_loop3A_226 = arith.mulf %parallel_loop3A_223, %parallel_loop3A_225 : vector<16xf32>
        %parallel_loop3A_227 = arith.index_cast %parallel_loop3A_168 : i32 to index
        %parallel_loop3A_228 = arith.constant 48 : index
        %parallel_loop3A_229 = tpu.vector_load %arg17[%parallel_loop3A_227, %parallel_loop3A_228] {strides = array<i32>} : memref<128x128xf32, #tpu.memory_space<vmem>>, vector<1x16xf32>,
        %parallel_loop3A_230 = vector.shape_cast %parallel_loop3A_229 : vector<1x16xf32> to vector<16xf32>
        %parallel_loop3A_231 = arith.addf %parallel_loop3A_226, %parallel_loop3A_230 : vector<16xf32>
        %parallel_loop3A_232 = arith.index_cast %parallel_loop3A_168 : i32 to index
        %parallel_loop3A_233 = arith.constant 48 : index
        %parallel_loop3A_234 = tpu.vector_load %arg17[%parallel_loop3A_232, %parallel_loop3A_233] {strides = array<i32>} : memref<128x128xf32, #tpu.memory_space<vmem>>, vector<1x16xf32>,
        %parallel_loop3A_235 = vector.shape_cast %parallel_loop3A_234 : vector<1x16xf32> to vector<16xf32>
        %parallel_loop3A_236 = vector.shape_cast %parallel_loop3A_231 : vector<16xf32> to vector<1x16xf32>
        tpu.vector_store %arg17[%parallel_loop3A_232, %parallel_loop3A_233], %parallel_loop3A_236 {strides = array<i32>} : memref<128x128xf32, #tpu.memory_space<vmem>>, vector<1x16xf32>,
        %parallel_loop3A_237 = arith.index_cast %parallel_loop3A_168 : i32 to index
        %parallel_loop3A_238 = arith.constant 64 : index
        %parallel_loop3A_239 = tpu.vector_load %arg15[%parallel_loop3A_237, %parallel_loop3A_238] {strides = array<i32>} : memref<128x128xf32, #tpu.memory_space<vmem>>, vector<1x16xf32>,
        %parallel_loop3A_240 = vector.shape_cast %parallel_loop3A_239 : vector<1x16xf32> to vector<16xf32>
        %parallel_loop3A_241 = arith.constant 11.3137083 : f32
        %parallel_loop3A_242 = vector.broadcast %parallel_loop3A_241 : f32 to vector<16xf32>
        %parallel_loop3A_243 = arith.mulf %parallel_loop3A_240, %parallel_loop3A_242 : vector<16xf32>
        %parallel_loop3A_244 = arith.index_cast %parallel_loop3A_168 : i32 to index
        %parallel_loop3A_245 = arith.constant 64 : index
        %parallel_loop3A_246 = tpu.vector_load %arg17[%parallel_loop3A_244, %parallel_loop3A_245] {strides = array<i32>} : memref<128x128xf32, #tpu.memory_space<vmem>>, vector<1x16xf32>,
        %parallel_loop3A_247 = vector.shape_cast %parallel_loop3A_246 : vector<1x16xf32> to vector<16xf32>
        %parallel_loop3A_248 = arith.addf %parallel_loop3A_243, %parallel_loop3A_247 : vector<16xf32>
        %parallel_loop3A_249 = arith.index_cast %parallel_loop3A_168 : i32 to index
        %parallel_loop3A_250 = arith.constant 64 : index
        %parallel_loop3A_251 = tpu.vector_load %arg17[%parallel_loop3A_249, %parallel_loop3A_250] {strides = array<i32>} : memref<128x128xf32, #tpu.memory_space<vmem>>, vector<1x16xf32>,
        %parallel_loop3A_252 = vector.shape_cast %parallel_loop3A_251 : vector<1x16xf32> to vector<16xf32>
        %parallel_loop3A_253 = vector.shape_cast %parallel_loop3A_248 : vector<16xf32> to vector<1x16xf32>
        tpu.vector_store %arg17[%parallel_loop3A_249, %parallel_loop3A_250], %parallel_loop3A_253 {strides = array<i32>} : memref<128x128xf32, #tpu.memory_space<vmem>>, vector<1x16xf32>,
        %parallel_loop3A_254 = arith.index_cast %parallel_loop3A_168 : i32 to index
        %parallel_loop3A_255 = arith.constant 80 : index
        %parallel_loop3A_256 = tpu.vector_load %arg15[%parallel_loop3A_254, %parallel_loop3A_255] {strides = array<i32>} : memref<128x128xf32, #tpu.memory_space<vmem>>, vector<1x16xf32>,
        %parallel_loop3A_257 = vector.shape_cast %parallel_loop3A_256 : vector<1x16xf32> to vector<16xf32>
        %parallel_loop3A_258 = arith.constant 11.3137083 : f32
        %parallel_loop3A_259 = vector.broadcast %parallel_loop3A_258 : f32 to vector<16xf32>
        %parallel_loop3A_260 = arith.mulf %parallel_loop3A_257, %parallel_loop3A_259 : vector<16xf32>
        %parallel_loop3A_261 = arith.index_cast %parallel_loop3A_168 : i32 to index
        %parallel_loop3A_262 = arith.constant 80 : index
        %parallel_loop3A_263 = tpu.vector_load %arg17[%parallel_loop3A_261, %parallel_loop3A_262] {strides = array<i32>} : memref<128x128xf32, #tpu.memory_space<vmem>>, vector<1x16xf32>,
        %parallel_loop3A_264 = vector.shape_cast %parallel_loop3A_263 : vector<1x16xf32> to vector<16xf32>
        %parallel_loop3A_265 = arith.addf %parallel_loop3A_260, %parallel_loop3A_264 : vector<16xf32>
        %parallel_loop3A_266 = arith.index_cast %parallel_loop3A_168 : i32 to index
        %parallel_loop3A_267 = arith.constant 80 : index
        %parallel_loop3A_268 = tpu.vector_load %arg17[%parallel_loop3A_266, %parallel_loop3A_267] {strides = array<i32>} : memref<128x128xf32, #tpu.memory_space<vmem>>, vector<1x16xf32>,
        %parallel_loop3A_269 = vector.shape_cast %parallel_loop3A_268 : vector<1x16xf32> to vector<16xf32>
        %parallel_loop3A_270 = vector.shape_cast %parallel_loop3A_265 : vector<16xf32> to vector<1x16xf32>
        tpu.vector_store %arg17[%parallel_loop3A_266, %parallel_loop3A_267], %parallel_loop3A_270 {strides = array<i32>} : memref<128x128xf32, #tpu.memory_space<vmem>>, vector<1x16xf32>,
        %parallel_loop3A_271 = arith.index_cast %parallel_loop3A_168 : i32 to index
        %parallel_loop3A_272 = arith.constant 96 : index
        %parallel_loop3A_273 = tpu.vector_load %arg15[%parallel_loop3A_271, %parallel_loop3A_272] {strides = array<i32>} : memref<128x128xf32, #tpu.memory_space<vmem>>, vector<1x16xf32>,
        %parallel_loop3A_274 = vector.shape_cast %parallel_loop3A_273 : vector<1x16xf32> to vector<16xf32>
        %parallel_loop3A_275 = arith.constant 11.3137083 : f32
        %parallel_loop3A_276 = vector.broadcast %parallel_loop3A_275 : f32 to vector<16xf32>
        %parallel_loop3A_277 = arith.mulf %parallel_loop3A_274, %parallel_loop3A_276 : vector<16xf32>
        %parallel_loop3A_278 = arith.index_cast %parallel_loop3A_168 : i32 to index
        %parallel_loop3A_279 = arith.constant 96 : index
        %parallel_loop3A_280 = tpu.vector_load %arg17[%parallel_loop3A_278, %parallel_loop3A_279] {strides = array<i32>} : memref<128x128xf32, #tpu.memory_space<vmem>>, vector<1x16xf32>,
        %parallel_loop3A_281 = vector.shape_cast %parallel_loop3A_280 : vector<1x16xf32> to vector<16xf32>
        %parallel_loop3A_282 = arith.addf %parallel_loop3A_277, %parallel_loop3A_281 : vector<16xf32>
        %parallel_loop3A_283 = arith.index_cast %parallel_loop3A_168 : i32 to index
        %parallel_loop3A_284 = arith.constant 96 : index
        %parallel_loop3A_285 = tpu.vector_load %arg17[%parallel_loop3A_283, %parallel_loop3A_284] {strides = array<i32>} : memref<128x128xf32, #tpu.memory_space<vmem>>, vector<1x16xf32>,
        %parallel_loop3A_286 = vector.shape_cast %parallel_loop3A_285 : vector<1x16xf32> to vector<16xf32>
        %parallel_loop3A_287 = vector.shape_cast %parallel_loop3A_282 : vector<16xf32> to vector<1x16xf32>
        tpu.vector_store %arg17[%parallel_loop3A_283, %parallel_loop3A_284], %parallel_loop3A_287 {strides = array<i32>} : memref<128x128xf32, #tpu.memory_space<vmem>>, vector<1x16xf32>,
        %parallel_loop3A_288 = arith.index_cast %parallel_loop3A_168 : i32 to index
        %parallel_loop3A_289 = arith.constant 112 : index
        %parallel_loop3A_290 = tpu.vector_load %arg15[%parallel_loop3A_288, %parallel_loop3A_289] {strides = array<i32>} : memref<128x128xf32, #tpu.memory_space<vmem>>, vector<1x16xf32>,
        %parallel_loop3A_291 = vector.shape_cast %parallel_loop3A_290 : vector<1x16xf32> to vector<16xf32>
        %parallel_loop3A_292 = arith.constant 11.3137083 : f32
        %parallel_loop3A_293 = vector.broadcast %parallel_loop3A_292 : f32 to vector<16xf32>
        %parallel_loop3A_294 = arith.mulf %parallel_loop3A_291, %parallel_loop3A_293 : vector<16xf32>
        %parallel_loop3A_295 = arith.index_cast %parallel_loop3A_168 : i32 to index
        %parallel_loop3A_296 = arith.constant 112 : index
        %parallel_loop3A_297 = tpu.vector_load %arg17[%parallel_loop3A_295, %parallel_loop3A_296] {strides = array<i32>} : memref<128x128xf32, #tpu.memory_space<vmem>>, vector<1x16xf32>,
        %parallel_loop3A_298 = vector.shape_cast %parallel_loop3A_297 : vector<1x16xf32> to vector<16xf32>
        %parallel_loop3A_299 = arith.addf %parallel_loop3A_294, %parallel_loop3A_298 : vector<16xf32>
        %parallel_loop3A_300 = arith.index_cast %parallel_loop3A_168 : i32 to index
        %parallel_loop3A_301 = arith.constant 112 : index
        %parallel_loop3A_302 = tpu.vector_load %arg17[%parallel_loop3A_300, %parallel_loop3A_301] {strides = array<i32>} : memref<128x128xf32, #tpu.memory_space<vmem>>, vector<1x16xf32>,
        %parallel_loop3A_303 = vector.shape_cast %parallel_loop3A_302 : vector<1x16xf32> to vector<16xf32>
        %parallel_loop3A_304 = vector.shape_cast %parallel_loop3A_299 : vector<16xf32> to vector<1x16xf32>
        tpu.vector_store %arg17[%parallel_loop3A_300, %parallel_loop3A_301], %parallel_loop3A_304 {strides = array<i32>} : memref<128x128xf32, #tpu.memory_space<vmem>>, vector<1x16xf32>,
      } {sc.loop_unroll_factor = 4 : i64, sc.parallel_access}
      %mul3A_102 = arith.constant 128 : i32
      %mul3A_103 = arith.muli %add3A_67, %mul3A_102 : i32
      %add3A_104 = arith.addi %mul3A_2, %mul3A_103 : i32
      %dma_start3A_105 = arith.constant 0 : i32
      %dma_start3A_106 = tpu.memref_slice %arg8[%add3A_104, %dma_start3A_105] : memref<204800x128xf32, #tpu.memory_space<hbm>> -> memref<128x128xf32, #tpu.memory_space<hbm>>
      %dma_start3A_107 = arith.constant 0 : i32
      %dma_start3A_108 = tpu.memref_slice %arg8[%add3A_104, %dma_start3A_107] : memref<204800x128xf32, #tpu.memory_space<hbm>> -> memref<128x128xf32, #tpu.memory_space<hbm>>
      tpu.enqueue_dma source(%arg17 : memref<128x128xf32, #tpu.memory_space<vmem>>) target(%dma_start3A_108 : memref<128x128xf32, #tpu.memory_space<hbm>>) target_semaphore(%arg27 : memref<!tpu.dma_semaphore, #tpu.memory_space<semaphore_mem>>)
      %add3A_109 = arith.constant 1 : i32
      %add3A_110 = arith.addi %add3A_67, %add3A_109 : i32
      %lt3A_111 = arith.constant 50 : i32
      %lt3A_112 = arith.cmpi slt, %add3A_110, %lt3A_111 : i32
      %convert_element_type3A_113 = arith.extui %lt3A_112 : i1 to i32
      %cond3A_114 = arith.constant 0 : i32
      %cond3A_115 = arith.cmpi ne, %convert_element_type3A_113, %cond3A_114 : i32
      scf.if %cond3A_115 {
        %dma_wait3A_168 = arith.constant 0 : i32
        %dma_wait3A_169 = arith.constant 0 : i32
        %dma_wait3A_170 = tpu.memref_slice %arg8[%dma_wait3A_168, %dma_wait3A_169] : memref<204800x128xf32, #tpu.memory_space<hbm>> -> memref<128x128xf32, #tpu.memory_space<hbm>>
        %dma_wait3A_171 = arith.constant 0 : i32
        %dma_wait3A_172 = arith.constant 0 : i32
        %dma_wait3A_173 = tpu.memref_slice %arg8[%dma_wait3A_171, %dma_wait3A_172] : memref<204800x128xf32, #tpu.memory_space<hbm>> -> memref<128x128xf32, #tpu.memory_space<hbm>>
        tpu.wait_dma2 semaphore(%arg24 : memref<!tpu.dma_semaphore, #tpu.memory_space<semaphore_mem>>) src(%dma_wait3A_173 : memref<128x128xf32, #tpu.memory_space<hbm>>) dst(%arg18 : memref<128x128xf32, #tpu.memory_space<vmem>>)
        %add3A_174 = arith.constant 1 : i32
        %add3A_175 = arith.addi %add3A_67, %add3A_174 : i32
        %mul3A_176 = arith.constant 128 : i32
        %mul3A_177 = arith.muli %add3A_175, %mul3A_176 : i32
        %dma_start3A_178 = tpu.memref_slice %arg12[%mul3A_177] : memref<6400xi32, #tpu.memory_space<vmem>> -> memref<128xi32, #tpu.memory_space<vmem>>
        %dma_start3A_179 = arith.constant 0 : i32
        %dma_start3A_180 = arith.constant 0 : i32
        %dma_start3A_181 = tpu.memref_slice %arg10[%dma_start3A_179, %dma_start3A_180] : memref<1000x128xf32, #tpu.memory_space<vmem_shared>> -> memref<1000x128xf32, #tpu.memory_space<vmem_shared>>
        tpu.enqueue_indirect_dma source(%dma_start3A_181 : memref<1000x128xf32, #tpu.memory_space<vmem_shared>>) target(%arg18 : memref<128x128xf32, #tpu.memory_space<vmem>>) offsets(%dma_start3A_178 : memref<128xi32, #tpu.memory_space<vmem>>) semaphore(%arg26 : memref<!tpu.dma_semaphore, #tpu.memory_space<semaphore_mem>>) {add = true}
      } else {
      }
      %add3A_116 = arith.constant 1 : i32
      %add3A_117 = arith.addi %add3A_67, %add3A_116 : i32
      %add3A_118 = arith.constant 1 : i32
      %add3A_119 = arith.addi %add3A_117, %add3A_118 : i32
      %lt3A_120 = arith.constant 50 : i32
      %lt3A_121 = arith.cmpi slt, %add3A_119, %lt3A_120 : i32
      %convert_element_type3A_122 = arith.extui %lt3A_121 : i1 to i32
      %cond3A_123 = arith.constant 0 : i32
      %cond3A_124 = arith.cmpi ne, %convert_element_type3A_122, %cond3A_123 : i32
      scf.if %cond3A_124 {
        %dma_wait3A_168 = arith.constant 0 : i32
        %dma_wait3A_169 = tpu.memref_slice %arg5[%dma_wait3A_168] : memref<204800xi32, #tpu.memory_space<hbm>> -> memref<128xi32, #tpu.memory_space<hbm>>
        %dma_wait3A_170 = arith.constant 0 : i32
        %dma_wait3A_171 = tpu.memref_slice %arg5[%dma_wait3A_170] : memref<204800xi32, #tpu.memory_space<hbm>> -> memref<128xi32, #tpu.memory_space<hbm>>
        tpu.wait_dma2 semaphore(%arg19 : memref<!tpu.dma_semaphore, #tpu.memory_space<semaphore_mem>>) src(%dma_wait3A_171 : memref<128xi32, #tpu.memory_space<hbm>>) dst(%arg13 : memref<128xi32, #tpu.memory_space<vmem>>)
        %dma_start3A_172 = arith.constant 0 : i32
        %dma_start3A_173 = arith.constant 0 : i32
        %dma_start3A_174 = tpu.memref_slice %arg2[%dma_start3A_172, %dma_start3A_173] : memref<100000x128xf32, #tpu.memory_space<hbm>> -> memref<100000x128xf32, #tpu.memory_space<hbm>>
        tpu.enqueue_indirect_dma source(%dma_start3A_174 : memref<100000x128xf32, #tpu.memory_space<hbm>>) target(%arg15 : memref<128x128xf32, #tpu.memory_space<vmem>>) offsets(%arg13 : memref<128xi32, #tpu.memory_space<vmem>>) semaphore(%arg21 : memref<!tpu.dma_semaphore, #tpu.memory_space<semaphore_mem>>)
      } else {
      }
      %dma_wait3A_125 = arith.constant 0 : i32
      %dma_wait3A_126 = arith.constant 0 : i32
      %dma_wait3A_127 = tpu.memref_slice %arg8[%dma_wait3A_125, %dma_wait3A_126] : memref<204800x128xf32, #tpu.memory_space<hbm>> -> memref<128x128xf32, #tpu.memory_space<hbm>>
      %dma_wait3A_128 = arith.constant 0 : i32
      %dma_wait3A_129 = arith.constant 0 : i32
      %dma_wait3A_130 = tpu.memref_slice %arg8[%dma_wait3A_128, %dma_wait3A_129] : memref<204800x128xf32, #tpu.memory_space<hbm>> -> memref<128x128xf32, #tpu.memory_space<hbm>>
      tpu.wait_dma2 semaphore(%arg22 : memref<!tpu.dma_semaphore, #tpu.memory_space<semaphore_mem>>) src(%dma_wait3A_130 : memref<128x128xf32, #tpu.memory_space<hbm>>) dst(%arg16 : memref<128x128xf32, #tpu.memory_space<vmem>>)
      %add3A_131 = arith.constant 2 : i32
      %add3A_132 = arith.addi %add3A_117, %add3A_131 : i32
      %lt3A_133 = arith.constant 50 : i32
      %lt3A_134 = arith.cmpi slt, %add3A_132, %lt3A_133 : i32
      %convert_element_type3A_135 = arith.extui %lt3A_134 : i1 to i32
      %cond3A_136 = arith.constant 0 : i32
      %cond3A_137 = arith.cmpi ne, %convert_element_type3A_135, %cond3A_136 : i32
      scf.if %cond3A_137 {
        %add3A_168 = arith.constant 2 : i32
        %add3A_169 = arith.addi %add3A_117, %add3A_168 : i32
        %mul3A_170 = arith.constant 128 : i32
        %mul3A_171 = arith.muli %add3A_169, %mul3A_170 : i32
        %add3A_172 = arith.addi %mul3A_2, %mul3A_171 : i32
        %dma_start3A_173 = tpu.memref_slice %arg5[%add3A_172] : memref<204800xi32, #tpu.memory_space<hbm>> -> memref<128xi32, #tpu.memory_space<hbm>>
        %dma_start3A_174 = tpu.memref_slice %arg5[%add3A_172] : memref<204800xi32, #tpu.memory_space<hbm>> -> memref<128xi32, #tpu.memory_space<hbm>>
        tpu.enqueue_dma source(%dma_start3A_174 : memref<128xi32, #tpu.memory_space<hbm>>) target(%arg14 : memref<128xi32, #tpu.memory_space<vmem>>) target_semaphore(%arg20 : memref<!tpu.dma_semaphore, #tpu.memory_space<semaphore_mem>>)
      } else {
      }
      %dma_wait3A_138 = arith.constant 0 : i32
      %dma_wait3A_139 = arith.constant 0 : i32
      %dma_wait3A_140 = tpu.memref_slice %arg8[%dma_wait3A_138, %dma_wait3A_139] : memref<204800x128xf32, #tpu.memory_space<hbm>> -> memref<128x128xf32, #tpu.memory_space<hbm>>
      %dma_wait3A_141 = arith.constant 0 : i32
      %dma_wait3A_142 = arith.constant 0 : i32
      %dma_wait3A_143 = tpu.memref_slice %arg8[%dma_wait3A_141, %dma_wait3A_142] : memref<204800x128xf32, #tpu.memory_space<hbm>> -> memref<128x128xf32, #tpu.memory_space<hbm>>
      tpu.wait_dma2 semaphore(%arg26 : memref<!tpu.dma_semaphore, #tpu.memory_space<semaphore_mem>>) src(%dma_wait3A_143 : memref<128x128xf32, #tpu.memory_space<hbm>>) dst(%arg18 : memref<128x128xf32, #tpu.memory_space<vmem>>)
      %add3A_144 = arith.constant 1 : i32
      %add3A_145 = arith.addi %add3A_117, %add3A_144 : i32
      %lt3A_146 = arith.constant 50 : i32
      %lt3A_147 = arith.cmpi slt, %add3A_145, %lt3A_146 : i32
      %convert_element_type3A_148 = arith.extui %lt3A_147 : i1 to i32
      %cond3A_149 = arith.constant 0 : i32
      %cond3A_150 = arith.cmpi ne, %convert_element_type3A_148, %cond3A_149 : i32
      scf.if %cond3A_150 {
        %ge3A = arith.constant 1 : i32
        %ge3A_168 = arith.cmpi sge, %add3A_117, %ge3A : i32
        %convert_element_type3A_169 = arith.extui %ge3A_168 : i1 to i32
        %cond3A_170 = arith.constant 0 : i32
        %cond3A_171 = arith.cmpi ne, %convert_element_type3A_169, %cond3A_170 : i32
        scf.if %cond3A_171 {
          %dma_wait3A_180 = arith.constant 0 : i32
          %dma_wait3A_181 = tpu.memref_slice %arg8[%mul3A_2, %dma_wait3A_180] : memref<204800x128xf32, #tpu.memory_space<hbm>> -> memref<128x128xf32, #tpu.memory_space<hbm>>
          %dma_wait3A_182 = arith.constant 0 : i32
          %dma_wait3A_183 = tpu.memref_slice %arg8[%mul3A_2, %dma_wait3A_182] : memref<204800x128xf32, #tpu.memory_space<hbm>> -> memref<128x128xf32, #tpu.memory_space<hbm>>
          tpu.wait_dma2 semaphore(%arg27 : memref<!tpu.dma_semaphore, #tpu.memory_space<semaphore_mem>>) src(%arg17 : memref<128x128xf32, #tpu.memory_space<vmem>>) dst(%dma_wait3A_183 : memref<128x128xf32, #tpu.memory_space<hbm>>)
        } else {
        }
        %add3A_172 = arith.constant 1 : i32
        %add3A_173 = arith.addi %add3A_117, %add3A_172 : i32
        %mul3A_174 = arith.constant 128 : i32
        %mul3A_175 = arith.muli %add3A_173, %mul3A_174 : i32
        %dma_start3A_176 = tpu.memref_slice %arg11[%mul3A_175] : memref<6400xi32, #tpu.memory_space<vmem>> -> memref<128xi32, #tpu.memory_space<vmem>>
        %dma_start3A_177 = arith.constant 0 : i32
        %dma_start3A_178 = arith.constant 0 : i32
        %dma_start3A_179 = tpu.memref_slice %arg9[%dma_start3A_177, %dma_start3A_178] : memref<5000x128xf32, #tpu.memory_space<vmem_shared>> -> memref<5000x128xf32, #tpu.memory_space<vmem_shared>>
        tpu.enqueue_indirect_dma source(%dma_start3A_179 : memref<5000x128xf32, #tpu.memory_space<vmem_shared>>) target(%arg17 : memref<128x128xf32, #tpu.memory_space<vmem>>) offsets(%dma_start3A_176 : memref<128xi32, #tpu.memory_space<vmem>>) semaphore(%arg23 : memref<!tpu.dma_semaphore, #tpu.memory_space<semaphore_mem>>)
      } else {
      }
      %parallel_loop3A_151 = arith.constant 0 : i32
      %parallel_loop3A_152 = arith.constant 128 : i32
      %parallel_loop3A_153 = arith.constant 1 : i32
      scf.for %parallel_loop3A_168 = %parallel_loop3A_151 to %parallel_loop3A_152 step %parallel_loop3A_153  : i32 {
        %parallel_loop3A_169 = arith.index_cast %parallel_loop3A_168 : i32 to index
        %parallel_loop3A_170 = arith.constant 0 : index
        %parallel_loop3A_171 = tpu.vector_load %arg16[%parallel_loop3A_169, %parallel_loop3A_170] {strides = array<i32>} : memref<128x128xf32, #tpu.memory_space<vmem>>, vector<1x16xf32>,
        %parallel_loop3A_172 = vector.shape_cast %parallel_loop3A_171 : vector<1x16xf32> to vector<16xf32>
        %parallel_loop3A_173 = arith.constant 11.3137083 : f32
        %parallel_loop3A_174 = vector.broadcast %parallel_loop3A_173 : f32 to vector<16xf32>
        %parallel_loop3A_175 = arith.mulf %parallel_loop3A_172, %parallel_loop3A_174 : vector<16xf32>
        %parallel_loop3A_176 = arith.index_cast %parallel_loop3A_168 : i32 to index
        %parallel_loop3A_177 = arith.constant 0 : index
        %parallel_loop3A_178 = tpu.vector_load %arg18[%parallel_loop3A_176, %parallel_loop3A_177] {strides = array<i32>} : memref<128x128xf32, #tpu.memory_space<vmem>>, vector<1x16xf32>,
        %parallel_loop3A_179 = vector.shape_cast %parallel_loop3A_178 : vector<1x16xf32> to vector<16xf32>
        %parallel_loop3A_180 = arith.addf %parallel_loop3A_175, %parallel_loop3A_179 : vector<16xf32>
        %parallel_loop3A_181 = arith.index_cast %parallel_loop3A_168 : i32 to index
        %parallel_loop3A_182 = arith.constant 0 : index
        %parallel_loop3A_183 = tpu.vector_load %arg18[%parallel_loop3A_181, %parallel_loop3A_182] {strides = array<i32>} : memref<128x128xf32, #tpu.memory_space<vmem>>, vector<1x16xf32>,
        %parallel_loop3A_184 = vector.shape_cast %parallel_loop3A_183 : vector<1x16xf32> to vector<16xf32>
        %parallel_loop3A_185 = vector.shape_cast %parallel_loop3A_180 : vector<16xf32> to vector<1x16xf32>
        tpu.vector_store %arg18[%parallel_loop3A_181, %parallel_loop3A_182], %parallel_loop3A_185 {strides = array<i32>} : memref<128x128xf32, #tpu.memory_space<vmem>>, vector<1x16xf32>,
        %parallel_loop3A_186 = arith.index_cast %parallel_loop3A_168 : i32 to index
        %parallel_loop3A_187 = arith.constant 16 : index
        %parallel_loop3A_188 = tpu.vector_load %arg16[%parallel_loop3A_186, %parallel_loop3A_187] {strides = array<i32>} : memref<128x128xf32, #tpu.memory_space<vmem>>, vector<1x16xf32>,
        %parallel_loop3A_189 = vector.shape_cast %parallel_loop3A_188 : vector<1x16xf32> to vector<16xf32>
        %parallel_loop3A_190 = arith.constant 11.3137083 : f32
        %parallel_loop3A_191 = vector.broadcast %parallel_loop3A_190 : f32 to vector<16xf32>
        %parallel_loop3A_192 = arith.mulf %parallel_loop3A_189, %parallel_loop3A_191 : vector<16xf32>
        %parallel_loop3A_193 = arith.index_cast %parallel_loop3A_168 : i32 to index
        %parallel_loop3A_194 = arith.constant 16 : index
        %parallel_loop3A_195 = tpu.vector_load %arg18[%parallel_loop3A_193, %parallel_loop3A_194] {strides = array<i32>} : memref<128x128xf32, #tpu.memory_space<vmem>>, vector<1x16xf32>,
        %parallel_loop3A_196 = vector.shape_cast %parallel_loop3A_195 : vector<1x16xf32> to vector<16xf32>
        %parallel_loop3A_197 = arith.addf %parallel_loop3A_192, %parallel_loop3A_196 : vector<16xf32>
        %parallel_loop3A_198 = arith.index_cast %parallel_loop3A_168 : i32 to index
        %parallel_loop3A_199 = arith.constant 16 : index
        %parallel_loop3A_200 = tpu.vector_load %arg18[%parallel_loop3A_198, %parallel_loop3A_199] {strides = array<i32>} : memref<128x128xf32, #tpu.memory_space<vmem>>, vector<1x16xf32>,
        %parallel_loop3A_201 = vector.shape_cast %parallel_loop3A_200 : vector<1x16xf32> to vector<16xf32>
        %parallel_loop3A_202 = vector.shape_cast %parallel_loop3A_197 : vector<16xf32> to vector<1x16xf32>
        tpu.vector_store %arg18[%parallel_loop3A_198, %parallel_loop3A_199], %parallel_loop3A_202 {strides = array<i32>} : memref<128x128xf32, #tpu.memory_space<vmem>>, vector<1x16xf32>,
        %parallel_loop3A_203 = arith.index_cast %parallel_loop3A_168 : i32 to index
        %parallel_loop3A_204 = arith.constant 32 : index
        %parallel_loop3A_205 = tpu.vector_load %arg16[%parallel_loop3A_203, %parallel_loop3A_204] {strides = array<i32>} : memref<128x128xf32, #tpu.memory_space<vmem>>, vector<1x16xf32>,
        %parallel_loop3A_206 = vector.shape_cast %parallel_loop3A_205 : vector<1x16xf32> to vector<16xf32>
        %parallel_loop3A_207 = arith.constant 11.3137083 : f32
        %parallel_loop3A_208 = vector.broadcast %parallel_loop3A_207 : f32 to vector<16xf32>
        %parallel_loop3A_209 = arith.mulf %parallel_loop3A_206, %parallel_loop3A_208 : vector<16xf32>
        %parallel_loop3A_210 = arith.index_cast %parallel_loop3A_168 : i32 to index
        %parallel_loop3A_211 = arith.constant 32 : index
        %parallel_loop3A_212 = tpu.vector_load %arg18[%parallel_loop3A_210, %parallel_loop3A_211] {strides = array<i32>} : memref<128x128xf32, #tpu.memory_space<vmem>>, vector<1x16xf32>,
        %parallel_loop3A_213 = vector.shape_cast %parallel_loop3A_212 : vector<1x16xf32> to vector<16xf32>
        %parallel_loop3A_214 = arith.addf %parallel_loop3A_209, %parallel_loop3A_213 : vector<16xf32>
        %parallel_loop3A_215 = arith.index_cast %parallel_loop3A_168 : i32 to index
        %parallel_loop3A_216 = arith.constant 32 : index
        %parallel_loop3A_217 = tpu.vector_load %arg18[%parallel_loop3A_215, %parallel_loop3A_216] {strides = array<i32>} : memref<128x128xf32, #tpu.memory_space<vmem>>, vector<1x16xf32>,
        %parallel_loop3A_218 = vector.shape_cast %parallel_loop3A_217 : vector<1x16xf32> to vector<16xf32>
        %parallel_loop3A_219 = vector.shape_cast %parallel_loop3A_214 : vector<16xf32> to vector<1x16xf32>
        tpu.vector_store %arg18[%parallel_loop3A_215, %parallel_loop3A_216], %parallel_loop3A_219 {strides = array<i32>} : memref<128x128xf32, #tpu.memory_space<vmem>>, vector<1x16xf32>,
        %parallel_loop3A_220 = arith.index_cast %parallel_loop3A_168 : i32 to index
        %parallel_loop3A_221 = arith.constant 48 : index
        %parallel_loop3A_222 = tpu.vector_load %arg16[%parallel_loop3A_220, %parallel_loop3A_221] {strides = array<i32>} : memref<128x128xf32, #tpu.memory_space<vmem>>, vector<1x16xf32>,
        %parallel_loop3A_223 = vector.shape_cast %parallel_loop3A_222 : vector<1x16xf32> to vector<16xf32>
        %parallel_loop3A_224 = arith.constant 11.3137083 : f32
        %parallel_loop3A_225 = vector.broadcast %parallel_loop3A_224 : f32 to vector<16xf32>
        %parallel_loop3A_226 = arith.mulf %parallel_loop3A_223, %parallel_loop3A_225 : vector<16xf32>
        %parallel_loop3A_227 = arith.index_cast %parallel_loop3A_168 : i32 to index
        %parallel_loop3A_228 = arith.constant 48 : index
        %parallel_loop3A_229 = tpu.vector_load %arg18[%parallel_loop3A_227, %parallel_loop3A_228] {strides = array<i32>} : memref<128x128xf32, #tpu.memory_space<vmem>>, vector<1x16xf32>,
        %parallel_loop3A_230 = vector.shape_cast %parallel_loop3A_229 : vector<1x16xf32> to vector<16xf32>
        %parallel_loop3A_231 = arith.addf %parallel_loop3A_226, %parallel_loop3A_230 : vector<16xf32>
        %parallel_loop3A_232 = arith.index_cast %parallel_loop3A_168 : i32 to index
        %parallel_loop3A_233 = arith.constant 48 : index
        %parallel_loop3A_234 = tpu.vector_load %arg18[%parallel_loop3A_232, %parallel_loop3A_233] {strides = array<i32>} : memref<128x128xf32, #tpu.memory_space<vmem>>, vector<1x16xf32>,
        %parallel_loop3A_235 = vector.shape_cast %parallel_loop3A_234 : vector<1x16xf32> to vector<16xf32>
        %parallel_loop3A_236 = vector.shape_cast %parallel_loop3A_231 : vector<16xf32> to vector<1x16xf32>
        tpu.vector_store %arg18[%parallel_loop3A_232, %parallel_loop3A_233], %parallel_loop3A_236 {strides = array<i32>} : memref<128x128xf32, #tpu.memory_space<vmem>>, vector<1x16xf32>,
        %parallel_loop3A_237 = arith.index_cast %parallel_loop3A_168 : i32 to index
        %parallel_loop3A_238 = arith.constant 64 : index
        %parallel_loop3A_239 = tpu.vector_load %arg16[%parallel_loop3A_237, %parallel_loop3A_238] {strides = array<i32>} : memref<128x128xf32, #tpu.memory_space<vmem>>, vector<1x16xf32>,
        %parallel_loop3A_240 = vector.shape_cast %parallel_loop3A_239 : vector<1x16xf32> to vector<16xf32>
        %parallel_loop3A_241 = arith.constant 11.3137083 : f32
        %parallel_loop3A_242 = vector.broadcast %parallel_loop3A_241 : f32 to vector<16xf32>
        %parallel_loop3A_243 = arith.mulf %parallel_loop3A_240, %parallel_loop3A_242 : vector<16xf32>
        %parallel_loop3A_244 = arith.index_cast %parallel_loop3A_168 : i32 to index
        %parallel_loop3A_245 = arith.constant 64 : index
        %parallel_loop3A_246 = tpu.vector_load %arg18[%parallel_loop3A_244, %parallel_loop3A_245] {strides = array<i32>} : memref<128x128xf32, #tpu.memory_space<vmem>>, vector<1x16xf32>,
        %parallel_loop3A_247 = vector.shape_cast %parallel_loop3A_246 : vector<1x16xf32> to vector<16xf32>
        %parallel_loop3A_248 = arith.addf %parallel_loop3A_243, %parallel_loop3A_247 : vector<16xf32>
        %parallel_loop3A_249 = arith.index_cast %parallel_loop3A_168 : i32 to index
        %parallel_loop3A_250 = arith.constant 64 : index
        %parallel_loop3A_251 = tpu.vector_load %arg18[%parallel_loop3A_249, %parallel_loop3A_250] {strides = array<i32>} : memref<128x128xf32, #tpu.memory_space<vmem>>, vector<1x16xf32>,
        %parallel_loop3A_252 = vector.shape_cast %parallel_loop3A_251 : vector<1x16xf32> to vector<16xf32>
        %parallel_loop3A_253 = vector.shape_cast %parallel_loop3A_248 : vector<16xf32> to vector<1x16xf32>
        tpu.vector_store %arg18[%parallel_loop3A_249, %parallel_loop3A_250], %parallel_loop3A_253 {strides = array<i32>} : memref<128x128xf32, #tpu.memory_space<vmem>>, vector<1x16xf32>,
        %parallel_loop3A_254 = arith.index_cast %parallel_loop3A_168 : i32 to index
        %parallel_loop3A_255 = arith.constant 80 : index
        %parallel_loop3A_256 = tpu.vector_load %arg16[%parallel_loop3A_254, %parallel_loop3A_255] {strides = array<i32>} : memref<128x128xf32, #tpu.memory_space<vmem>>, vector<1x16xf32>,
        %parallel_loop3A_257 = vector.shape_cast %parallel_loop3A_256 : vector<1x16xf32> to vector<16xf32>
        %parallel_loop3A_258 = arith.constant 11.3137083 : f32
        %parallel_loop3A_259 = vector.broadcast %parallel_loop3A_258 : f32 to vector<16xf32>
        %parallel_loop3A_260 = arith.mulf %parallel_loop3A_257, %parallel_loop3A_259 : vector<16xf32>
        %parallel_loop3A_261 = arith.index_cast %parallel_loop3A_168 : i32 to index
        %parallel_loop3A_262 = arith.constant 80 : index
        %parallel_loop3A_263 = tpu.vector_load %arg18[%parallel_loop3A_261, %parallel_loop3A_262] {strides = array<i32>} : memref<128x128xf32, #tpu.memory_space<vmem>>, vector<1x16xf32>,
        %parallel_loop3A_264 = vector.shape_cast %parallel_loop3A_263 : vector<1x16xf32> to vector<16xf32>
        %parallel_loop3A_265 = arith.addf %parallel_loop3A_260, %parallel_loop3A_264 : vector<16xf32>
        %parallel_loop3A_266 = arith.index_cast %parallel_loop3A_168 : i32 to index
        %parallel_loop3A_267 = arith.constant 80 : index
        %parallel_loop3A_268 = tpu.vector_load %arg18[%parallel_loop3A_266, %parallel_loop3A_267] {strides = array<i32>} : memref<128x128xf32, #tpu.memory_space<vmem>>, vector<1x16xf32>,
        %parallel_loop3A_269 = vector.shape_cast %parallel_loop3A_268 : vector<1x16xf32> to vector<16xf32>
        %parallel_loop3A_270 = vector.shape_cast %parallel_loop3A_265 : vector<16xf32> to vector<1x16xf32>
        tpu.vector_store %arg18[%parallel_loop3A_266, %parallel_loop3A_267], %parallel_loop3A_270 {strides = array<i32>} : memref<128x128xf32, #tpu.memory_space<vmem>>, vector<1x16xf32>,
        %parallel_loop3A_271 = arith.index_cast %parallel_loop3A_168 : i32 to index
        %parallel_loop3A_272 = arith.constant 96 : index
        %parallel_loop3A_273 = tpu.vector_load %arg16[%parallel_loop3A_271, %parallel_loop3A_272] {strides = array<i32>} : memref<128x128xf32, #tpu.memory_space<vmem>>, vector<1x16xf32>,
        %parallel_loop3A_274 = vector.shape_cast %parallel_loop3A_273 : vector<1x16xf32> to vector<16xf32>
        %parallel_loop3A_275 = arith.constant 11.3137083 : f32
        %parallel_loop3A_276 = vector.broadcast %parallel_loop3A_275 : f32 to vector<16xf32>
        %parallel_loop3A_277 = arith.mulf %parallel_loop3A_274, %parallel_loop3A_276 : vector<16xf32>
        %parallel_loop3A_278 = arith.index_cast %parallel_loop3A_168 : i32 to index
        %parallel_loop3A_279 = arith.constant 96 : index
        %parallel_loop3A_280 = tpu.vector_load %arg18[%parallel_loop3A_278, %parallel_loop3A_279] {strides = array<i32>} : memref<128x128xf32, #tpu.memory_space<vmem>>, vector<1x16xf32>,
        %parallel_loop3A_281 = vector.shape_cast %parallel_loop3A_280 : vector<1x16xf32> to vector<16xf32>
        %parallel_loop3A_282 = arith.addf %parallel_loop3A_277, %parallel_loop3A_281 : vector<16xf32>
        %parallel_loop3A_283 = arith.index_cast %parallel_loop3A_168 : i32 to index
        %parallel_loop3A_284 = arith.constant 96 : index
        %parallel_loop3A_285 = tpu.vector_load %arg18[%parallel_loop3A_283, %parallel_loop3A_284] {strides = array<i32>} : memref<128x128xf32, #tpu.memory_space<vmem>>, vector<1x16xf32>,
        %parallel_loop3A_286 = vector.shape_cast %parallel_loop3A_285 : vector<1x16xf32> to vector<16xf32>
        %parallel_loop3A_287 = vector.shape_cast %parallel_loop3A_282 : vector<16xf32> to vector<1x16xf32>
        tpu.vector_store %arg18[%parallel_loop3A_283, %parallel_loop3A_284], %parallel_loop3A_287 {strides = array<i32>} : memref<128x128xf32, #tpu.memory_space<vmem>>, vector<1x16xf32>,
        %parallel_loop3A_288 = arith.index_cast %parallel_loop3A_168 : i32 to index
        %parallel_loop3A_289 = arith.constant 112 : index
        %parallel_loop3A_290 = tpu.vector_load %arg16[%parallel_loop3A_288, %parallel_loop3A_289] {strides = array<i32>} : memref<128x128xf32, #tpu.memory_space<vmem>>, vector<1x16xf32>,
        %parallel_loop3A_291 = vector.shape_cast %parallel_loop3A_290 : vector<1x16xf32> to vector<16xf32>
        %parallel_loop3A_292 = arith.constant 11.3137083 : f32
        %parallel_loop3A_293 = vector.broadcast %parallel_loop3A_292 : f32 to vector<16xf32>
        %parallel_loop3A_294 = arith.mulf %parallel_loop3A_291, %parallel_loop3A_293 : vector<16xf32>
        %parallel_loop3A_295 = arith.index_cast %parallel_loop3A_168 : i32 to index
        %parallel_loop3A_296 = arith.constant 112 : index
        %parallel_loop3A_297 = tpu.vector_load %arg18[%parallel_loop3A_295, %parallel_loop3A_296] {strides = array<i32>} : memref<128x128xf32, #tpu.memory_space<vmem>>, vector<1x16xf32>,
        %parallel_loop3A_298 = vector.shape_cast %parallel_loop3A_297 : vector<1x16xf32> to vector<16xf32>
        %parallel_loop3A_299 = arith.addf %parallel_loop3A_294, %parallel_loop3A_298 : vector<16xf32>
        %parallel_loop3A_300 = arith.index_cast %parallel_loop3A_168 : i32 to index
        %parallel_loop3A_301 = arith.constant 112 : index
        %parallel_loop3A_302 = tpu.vector_load %arg18[%parallel_loop3A_300, %parallel_loop3A_301] {strides = array<i32>} : memref<128x128xf32, #tpu.memory_space<vmem>>, vector<1x16xf32>,
        %parallel_loop3A_303 = vector.shape_cast %parallel_loop3A_302 : vector<1x16xf32> to vector<16xf32>
        %parallel_loop3A_304 = vector.shape_cast %parallel_loop3A_299 : vector<16xf32> to vector<1x16xf32>
        tpu.vector_store %arg18[%parallel_loop3A_300, %parallel_loop3A_301], %parallel_loop3A_304 {strides = array<i32>} : memref<128x128xf32, #tpu.memory_space<vmem>>, vector<1x16xf32>,
      } {sc.loop_unroll_factor = 4 : i64, sc.parallel_access}
      %mul3A_154 = arith.constant 128 : i32
      %mul3A_155 = arith.muli %add3A_117, %mul3A_154 : i32
      %add3A_156 = arith.addi %mul3A_2, %mul3A_155 : i32
      %dma_start3A_157 = arith.constant 0 : i32
      %dma_start3A_158 = tpu.memref_slice %arg8[%add3A_156, %dma_start3A_157] : memref<204800x128xf32, #tpu.memory_space<hbm>> -> memref<128x128xf32, #tpu.memory_space<hbm>>
      %dma_start3A_159 = arith.constant 0 : i32
      %dma_start3A_160 = tpu.memref_slice %arg8[%add3A_156, %dma_start3A_159] : memref<204800x128xf32, #tpu.memory_space<hbm>> -> memref<128x128xf32, #tpu.memory_space<hbm>>
      tpu.enqueue_dma source(%arg18 : memref<128x128xf32, #tpu.memory_space<vmem>>) target(%dma_start3A_160 : memref<128x128xf32, #tpu.memory_space<hbm>>) target_semaphore(%arg28 : memref<!tpu.dma_semaphore, #tpu.memory_space<semaphore_mem>>)
      %add3A_161 = arith.constant 1 : i32
      %add3A_162 = arith.addi %add3A_117, %add3A_161 : i32
      %lt3A_163 = arith.constant 50 : i32
      %lt3A_164 = arith.cmpi slt, %add3A_162, %lt3A_163 : i32
      %convert_element_type3A_165 = arith.extui %lt3A_164 : i1 to i32
      %cond3A_166 = arith.constant 0 : i32
      %cond3A_167 = arith.cmpi ne, %convert_element_type3A_165, %cond3A_166 : i32
      scf.if %cond3A_167 {
        %dma_wait3A_168 = arith.constant 0 : i32
        %dma_wait3A_169 = arith.constant 0 : i32
        %dma_wait3A_170 = tpu.memref_slice %arg8[%dma_wait3A_168, %dma_wait3A_169] : memref<204800x128xf32, #tpu.memory_space<hbm>> -> memref<128x128xf32, #tpu.memory_space<hbm>>
        %dma_wait3A_171 = arith.constant 0 : i32
        %dma_wait3A_172 = arith.constant 0 : i32
        %dma_wait3A_173 = tpu.memref_slice %arg8[%dma_wait3A_171, %dma_wait3A_172] : memref<204800x128xf32, #tpu.memory_space<hbm>> -> memref<128x128xf32, #tpu.memory_space<hbm>>
        tpu.wait_dma2 semaphore(%arg23 : memref<!tpu.dma_semaphore, #tpu.memory_space<semaphore_mem>>) src(%dma_wait3A_173 : memref<128x128xf32, #tpu.memory_space<hbm>>) dst(%arg17 : memref<128x128xf32, #tpu.memory_space<vmem>>)
        %add3A_174 = arith.constant 1 : i32
        %add3A_175 = arith.addi %add3A_117, %add3A_174 : i32
        %mul3A_176 = arith.constant 128 : i32
        %mul3A_177 = arith.muli %add3A_175, %mul3A_176 : i32
        %dma_start3A_178 = tpu.memref_slice %arg12[%mul3A_177] : memref<6400xi32, #tpu.memory_space<vmem>> -> memref<128xi32, #tpu.memory_space<vmem>>
        %dma_start3A_179 = arith.constant 0 : i32
        %dma_start3A_180 = arith.constant 0 : i32
        %dma_start3A_181 = tpu.memref_slice %arg10[%dma_start3A_179, %dma_start3A_180] : memref<1000x128xf32, #tpu.memory_space<vmem_shared>> -> memref<1000x128xf32, #tpu.memory_space<vmem_shared>>
        tpu.enqueue_indirect_dma source(%dma_start3A_181 : memref<1000x128xf32, #tpu.memory_space<vmem_shared>>) target(%arg17 : memref<128x128xf32, #tpu.memory_space<vmem>>) offsets(%dma_start3A_178 : memref<128xi32, #tpu.memory_space<vmem>>) semaphore(%arg25 : memref<!tpu.dma_semaphore, #tpu.memory_space<semaphore_mem>>) {add = true}
      } else {
      }
    }
    %scan3A_54 = arith.constant 25 : i32
    %dma_wait3A_55 = arith.constant 0 : i32
    %dma_wait3A_56 = tpu.memref_slice %arg8[%mul3A_2, %dma_wait3A_55] : memref<204800x128xf32, #tpu.memory_space<hbm>> -> memref<128x128xf32, #tpu.memory_space<hbm>>
    %dma_wait3A_57 = arith.constant 0 : i32
    %dma_wait3A_58 = tpu.memref_slice %arg8[%mul3A_2, %dma_wait3A_57] : memref<204800x128xf32, #tpu.memory_space<hbm>> -> memref<128x128xf32, #tpu.memory_space<hbm>>
    tpu.wait_dma2 semaphore(%arg27 : memref<!tpu.dma_semaphore, #tpu.memory_space<semaphore_mem>>) src(%arg17 : memref<128x128xf32, #tpu.memory_space<vmem>>) dst(%dma_wait3A_58 : memref<128x128xf32, #tpu.memory_space<hbm>>)
    %dma_wait3A_59 = arith.constant 0 : i32
    %dma_wait3A_60 = tpu.memref_slice %arg8[%mul3A_2, %dma_wait3A_59] : memref<204800x128xf32, #tpu.memory_space<hbm>> -> memref<128x128xf32, #tpu.memory_space<hbm>>
    %dma_wait3A_61 = arith.constant 0 : i32
    %dma_wait3A_62 = tpu.memref_slice %arg8[%mul3A_2, %dma_wait3A_61] : memref<204800x128xf32, #tpu.memory_space<hbm>> -> memref<128x128xf32, #tpu.memory_space<hbm>>
    tpu.wait_dma2 semaphore(%arg28 : memref<!tpu.dma_semaphore, #tpu.memory_space<semaphore_mem>>) src(%arg18 : memref<128x128xf32, #tpu.memory_space<vmem>>) dst(%dma_wait3A_62 : memref<128x128xf32, #tpu.memory_space<hbm>>)
    return
  }
}

</mosaic_0001>

<sc_bundles>
// kernel: kernel.3.cloned.1.call-start
scs
__scs_entry_jumppad:
0x0: {  	(pc) =	sbr.rel $0x88, $3  }
0x1: {  	(tag) =	ssettag $0x0;
	lr =	simm.s32 $0x1  }
0x2: {  	[smem:$0x3F9B] =	sst lr;
	_ =	strace $0xD0000000  }
0x3: {  	_ = 	snop  }
0x4: {  	_ = 	snop  }
0x5: {  	_ = 	snop  }
0x6: {  	_ = 	snop  }
0x7: {  	_ = 	snop  }
__scs_overlays_trampoline_lowered:
0x8: {  	[smem:$0x3FAA] =	sst s0  }
0x9: {  	[smem:$0x3FAB] =	sst s1  }
0xa: {  	[smem:$0x3FAC] =	sst s2  }
0xb: {  	[smem:$0x3FAD] =	sst s3  }
0xc: {  	[smem:$0x3FAE] =	sst s4  }
0xd: {  	[smem:$0x3FAF] =	sst s5  }
0xe: {  	[smem:$0x3FB0] =	sst s6  }
0xf: {  	[smem:$0x3FB1] =	sst s7  }
0x10: {  	[smem:$0x3FB2] =	sst s8  }
0x11: {  	[smem:$0x3FB3] =	sst s9;
	s0 =	simm.s32 @!p0 $0x0  }
0x12: {  	s1 =	sld [smem:$0x3F99];
	s0 =	simm.s32 @p0 $0x1  }
0x13: {  	[smem:$0x3FB4] =	sst s0;
	s0 =	simm.s32 @!p1 $0x0  }
0x14: {  	s2 =	sld [smem:$0x3F98];
	s0 =	simm.s32 @p1 $0x1  }
0x15: {  	[smem:$0x3FB5] =	sst s0;
	s0 =	simm.s32 @!p2 $0x0  }
0x16: {  	s3 =	sld [smem:$0x3FDB];
	s0 =	simm.s32 @p2 $0x1  }
0x17: {  	s4 =	simm.s32 $0x1BF5;
	[smem:$0x3FB7] =	sst s0  }
0x18: {  	s0 =	sld [smem:$0x3F9A];
	_ =	swait.ge [sflag:s4], $0x0  }
0x19: {  	s7 =	sld [smem:$0x3F9B]  }
0x1a: {  	s8 =	sadd.s32 $0xFFFFE003, lr  }
0x1b: {  	s9 =	sadd.s32 $0xFFFFFEF7, lr;
	s5 =	simm.s32 $0xFFFFFFFF;
	p2 =	slt.u32 s8, $0xFFFFF086  }
0x1c: {  	p1 =	slt.u32 s9, $0xF7A;
	s5 =	simm.s32 @!p2 $0x0  }
0x1d: {  	s5 =	simm.s32 @p1 $0x1;
	p0 =	seq.s32 s7, s2  }
0x1e: {  	s7 =	smul.u32 @!p0 $0xF7A, s2;
	p2 =	seq.s32 @!p0 s5, $0x0  }
0x1f: {  	s9 =	smul.u32 $0xF7A, s1;
	s8 =	simm.s32 @!p0 $0x1BF5;
	p2 =	por !p2, p0  }
0x20: {  	[sflag:s8] =	ssyncset.s32 @!p0 $0xFFFFF086;
	s6 =	sadd.s32 @!p0 s3, s7;
	s7 =	simm.s32 @!p0 $0x108  }
0x21: {  	s3 =	sadd.s32 s3, s9;
	s6 =	sadd.s32 @!p0 $0x88, s6;
	s7 =	simm.s32 @p2 $0x1082  }
0x22: {  	[simem:s7], [sflag:s8] =	dma.local @!p0 [hbm:s6], $0xF7A  }
0x23: {  	s9 =	sor.u32 $0xD0000000, s2;
	s6 =	simm.s32 $0x108;
	_ =	swait.ge @!p0 [sflag:s8], $0x0  }
0x24: {  	s3 =	sadd.s32 $0x88, s3;
	s6 =	simm.s32 @!p1 $0x1082;
	[sflag:s4] =	ssyncset.s32 $0xFFFFF086  }
0x25: {  	[simem:s6], [sflag:s4] =	dma.local [hbm:s3], $0xF7A  }
0x26: {  	[smem:$0x3F9B] =	sst s1;
	(tag) =	ssettag s2;
	_ =	strace s9  }
0x27: {  	s1 =	sld [smem:$0x3FAB]  }
0x28: {  	s2 =	sld [smem:$0x3FAC]  }
0x29: {  	s4 =	sld [smem:$0x3FAE]  }
0x2a: {  	p0 =	seq.s32 s5, $0x0;
	s5 =	sld [smem:$0x3FAF]  }
0x2b: {  	s6 =	sld [smem:$0x3FB0]  }
0x2c: {  	s7 =	sld [smem:$0x3FB1]  }
0x2d: {  	s3 =	simm.s32 $0x108;
	s8 =	sld [smem:$0x3FB2]  }
0x2e: {  	s3 =	simm.s32 @!p0 $0x1082;
	s9 =	sld [smem:$0x3FB3]  }
0x2f: {  	lr =	sadd.s32 s0, s3;
	s0 =	sld [smem:$0x3FAA]  }
0x30: {  	s3 =	sld [smem:$0x3FAD]  }
0x31: {  	[smem:$0x3FB6] =	sst s10  }
0x32: {  	s10 =	sld [smem:$0x3FB4];
	_ =	sdelay $0x3  }
0x33: {  	p0 =	seq.s32 s10, $0x1;
	s10 =	sld [smem:$0x3FB6];
	_ =	sdelay $0x3  }
0x34: {  	[smem:$0x3FB6] =	sst s10  }
0x35: {  	s10 =	sld [smem:$0x3FB5];
	_ =	sdelay $0x3  }
0x36: {  	p1 =	seq.s32 s10, $0x1;
	s10 =	sld [smem:$0x3FB6];
	_ =	sdelay $0x3  }
0x37: {  	[smem:$0x3FB6] =	sst s10  }
0x38: {  	s10 =	sld [smem:$0x3FB7]  }
0x39: {  	_ = 	snop;
	(pc) =	sbr.ind lr, $3  }
0x3a: {  	_ = 	snop  }
0x3b: {  	_ = 	snop  }
0x3c: {  	p2 =	seq.s32 s10, $0x1;
	s10 =	sld [smem:$0x3FB6]  }
0x3d: {  	_ =	shalt  }
0x3e: {  	_ =	shalt  }
0x3f: {  	_ =	shalt  }
0x40: {  	_ =	shalt  }
0x41: {  	_ =	shalt  }
0x42: {  	_ =	shalt  }
0x43: {  	_ =	shalt  }
0x44: {  	_ =	shalt  }
0x45: {  	_ =	shalt  }
0x46: {  	_ =	shalt  }
0x47: {  	_ =	shalt  }
0x48: {  	_ =	shalt  }
0x49: {  	_ =	shalt  }
0x4a: {  	_ =	shalt  }
0x4b: {  	_ =	shalt  }
0x4c: {  	_ =	shalt  }
0x4d: {  	_ =	shalt  }
0x4e: {  	_ =	shalt  }
0x4f: {  	_ =	shalt  }
0x50: {  	_ =	shalt  }
0x51: {  	_ =	shalt  }
0x52: {  	_ =	shalt  }
0x53: {  	_ =	shalt  }
0x54: {  	_ =	shalt  }
0x55: {  	_ =	shalt  }
0x56: {  	_ =	shalt  }
0x57: {  	_ =	shalt  }
0x58: {  	_ =	shalt  }
0x59: {  	_ =	shalt  }
0x5a: {  	_ =	shalt  }
0x5b: {  	_ =	shalt  }
0x5c: {  	_ =	shalt  }
0x5d: {  	_ =	shalt  }
0x5e: {  	_ =	shalt  }
0x5f: {  	_ =	shalt  }
0x60: {  	_ =	shalt  }
0x61: {  	_ =	shalt  }
0x62: {  	_ =	shalt  }
0x63: {  	_ =	shalt  }
0x64: {  	_ =	shalt  }
0x65: {  	_ =	shalt  }
0x66: {  	_ =	shalt  }
0x67: {  	_ =	shalt  }
0x68: {  	_ =	shalt  }
0x69: {  	_ =	shalt  }
0x6a: {  	_ =	shalt  }
0x6b: {  	_ =	shalt  }
0x6c: {  	_ =	shalt  }
0x6d: {  	_ =	shalt  }
0x6e: {  	_ =	shalt  }
0x6f: {  	_ =	shalt  }
0x70: {  	_ =	shalt  }
0x71: {  	_ =	shalt  }
0x72: {  	_ =	shalt  }
0x73: {  	_ =	shalt  }
0x74: {  	_ =	shalt  }
0x75: {  	_ =	shalt  }
0x76: {  	_ =	shalt  }
0x77: {  	_ =	shalt  }
0x78: {  	_ =	shalt  }
0x79: {  	_ =	shalt  }
0x7a: {  	_ =	shalt  }
0x7b: {  	_ =	shalt  }
0x7c: {  	_ =	shalt  }
0x7d: {  	_ =	shalt  }
0x7e: {  	_ =	shalt  }
0x7f: {  	_ =	shalt  }
0x80: {  	_ =	shalt  }
0x81: {  	_ =	shalt  }
0x82: {  	_ =	shalt  }
0x83: {  	_ =	shalt  }
0x84: {  	_ =	shalt  }
0x85: {  	_ =	shalt  }
0x86: {  	_ =	shalt  }
0x87: {  	_ =	shalt  }
.Lfunc_end0:
.L_simem_size_0:
called_computation_lowered:
.L_overlay_start_0:
0x88: {  	s2 =	sld [smem:$0x3FD9]  }
0x89: {  	s3 =	sld [smem:$0x3FFE];
	_ =	sdelay $0x1  }
0x8a: {  	s1 =	srdreg.scid  }
0x8b: {  	s0 =	sand.u32 $0x1, s1  }
0x8c: {  	s17 =	sshll.u32 s0, $0xA;
	s2 =	sadd.s32 s3, s2  }
0x8d: {  	s2 =	sadd.s32 s2, s17  }
0x8e: {  	[smem:$0x3FC2] =	sst s2  }
0x8f: {  	_ = 	snop  }
0x90: {  	s2 =	sld [smem:$0x3FC6]  }
0x91: {  	s18 =	sld [smem:$0x3FC5]  }
0x92: {  	s4 =	sld [smem:$0x3FC4]  }
0x93: {  	s5 =	sld [smem:$0x3FD0];
	(tm) =	ssettm $0x1  }
0x94: {  	s6 =	sld [smem:$0x3FFB];
	_ =	sdelay $0x3  }
0x95: {  	_ =	strace s6  }
0x96: {  	s6 =	sld [smem:$0x3FFC];
	_ =	sdelay $0x3  }
0x97: {  	_ =	strace s6  }
0x98: {  	s6 =	sld [smem:$0x3FFD];
	_ =	sdelay $0x3  }
0x99: {  	_ =	strace s6  }
0x9a: {  	_ =	strace $0x8FFFFFFF  }
0x9b: {  	s19 =	sld [smem:$0x3FDB];
	_ =	sdelay $0x1  }
0x9c: {  	s7 =	simm.s32 $_scs_section_size  }
0x9d: {  	s8 =	simm.s32 $_size__tile_overlayer_lowered;
	s9 =	simm.s32 $_tile_overlayer_lowered  }
0x9e: {  	s22 =	simm.s32 $0x1BFF;
	s21 =	sshll.u32 s9, $0x1;
	s6 =	sadd.s32 s7, s19  }
0x9f: {  	s10 =	simm.s32 $0x0;
	s20 =	sshll.u32 s8, $0x1;
	s8 =	sadd.s32 s21, s6  }
0xa0: {  	[timem:s10], [sflag:s22] =	dma.local [hbm:s8], s20  }
0xa1: {  	_ =	swait.ge [sflag:s22], s20  }
0xa2: {  	s7 =	ssub.s32 $0x0, s20;
	[sflag:s22] =	ssyncset.done $0x0  }
0xa3: {  	[sflag:s22] =	ssyncadd.s32 s7;
	_ =	sdelay $0x1  }
0xa4: {  	s23 =	simm.s32 $0x1B8B  }
0xa5: {  	_ =	swait.ge [sflag:s23], $0x1  }
0xa6: {  	[sflag:s23] =	ssyncset.done $0x0  }
0xa7: {  	s25 =	simm.s32 $0x1B8E;
	s24 =	sld [smem:$0x3FFE];
	[sflag:s23] =	ssyncadd.s32 $0xFFFFFFFF  }
0xa8: {  	s26 =	simm.s32 $execute0_lowered;
	[smem:$0x3FD2] =	sst s25  }
0xa9: {  	s8 =	sshll.u32 s26, $0x1;
	_ =	strace $0x80000046;
	[dreg:$0x1] =	wrdreg $0xFFFFFFFF  }
0xaa: {  	s28 =	simm.s32 $_size_execute0_lowered;
	s6 =	sadd.s32 s6, s8;
	[dreg:$0x0] =	wrdreg $0x0  }
0xab: {  	s8 =	sshll.u32 s28, $0x1;
	[dreg:$0x2] =	wrdreg s6  }
0xac: {  	[dreg:$0x3] =	wrdreg s8  }
0xad: {  	[dreg:$0x4] =	wrdreg $0xC0  }
0xae: {  	_ =	task [dreg:s10], $0x5FFFF  }
0xaf: {  	[dreg:$0x1] =	wrdreg $0xFFFFFFFF  }
0xb0: {  	[dreg:$0x0] =	wrdreg $0x60  }
0xb1: {  	[dreg:$0x2] =	wrdreg s2  }
0xb2: {  	[dreg:$0x3] =	wrdreg s18  }
0xb3: {  	[dreg:$0x4] =	wrdreg s4  }
0xb4: {  	[dreg:$0x5] =	wrdreg s24  }
0xb5: {  	[dreg:$0x6] =	wrdreg s5  }
0xb6: {  	[dreg:$0x7] =	wrdreg $0x0  }
0xb7: {  	[dreg:$0x8] =	wrdreg $0x9C400  }
0xb8: {  	[dreg:$0x9] =	wrdreg $0x9  }
0xb9: {  	_ =	task.clear_ibuf [dreg:s10], $0xAFFFF;
	_ =	strace $0x90000046  }
0xba: {  	s29 =	simm.s32 $0x9;
	_ =	strace $0x80000048  }
0xbb: {  	_ =	swait.ge [sflag:s29], $0x1  }
0xbc: {  	[sflag:s29] =	ssyncadd.s32 $0xFFFFFFFF  }
0xbd: {  	_ =	strace $0x90000048  }
0xbe: {  	_ =	sfence  }
0xbf: {  	s30 =	sld [smem:$0x0];
	_ =	sdelay $0x2  }
0xc0: {  	s31 =	sshll.u32 s1, $0xD;
	s1 =	sshrl.u32 s1, $0x2  }
0xc1: {  	s3 =	sand.u32 $0x4000, s31;
	s1 =	sadd.s32 s1, s30  }
0xc2: {  	s0 =	sor.u32 s3, s0;
	s1 =	sshll.u32 s1, $0x11  }
0xc3: {  	s0 =	sor.u32 s1, s0  }
0xc4: {  	s0 =	sadd.s32 $0x8F2B, s0  }
0xc5: {  	[sflag:s0] =	ssyncadd.remote.s32 $0x1  }
0xc6: {  	_ =	sfence.sel $0xFFFF  }
0xc7: {  	[dreg:$0x0] =	wrdreg $0xFFFFFFFF;
	(pc) =	sbr.abs _section_cstart, $3  }
0xc8: {  	[dreg:$0x1] =	wrdreg $0xFFFFFFFF  }
0xc9: {  	_ =	task.clear_ibuf [dreg:s10], $0x2FFFF;
	_ =	strace $0x9FFFFFFF  }
0xca: {  	(tm) =	ssettm $0x7FFFFFFF  }
0xcb: {  	_ =	shalt  }
tec
execute0_lowered:
.L_overlay_start_1:
0x0: {  	(tag) =	ssettag $0x1  }
0x1: {  	s0 =	rddreg [dreg:$0x0]  }
0x2: {  	s1 =	rddreg [dreg:$0x1]  }
0x3: {  	s3 =	rddreg [dreg:$0x2]  }
0x4: {  	s9 =	rddreg [dreg:$0x3];
	s4 =	srdreg.scid  }
0x5: {  	s2 =	rddreg [dreg:$0x4];
	s16 =	stileid.u32  }
0x6: {  	s5 =	rddreg [dreg:$0x6];
	s21 =	simm.s32 $0xEE00;
	s13 =	smul.u32 $0x27000, s16  }
0x7: {  	s30 =	simm.s32 $0x80;
	s31 =	simm.s32 $0x5;
	s29 =	smul.u32 $0x1380, s16  }
0x8: {  	s28 =	simm.s32 $0x6;
	s10 =	sand.u32 $0x1, s4;
	s17 =	smul.u32 $0x7000, s16  }
0x9: {  	s4 =	rddreg [dreg:$0x5];
	s8 =	sadd.s32 $0x400, s9;
	s19 =	smul.u32 $0x380, s16  }
0xa: {  	p0 =	seq.s32 s16, $0x1;
	s6 =	sshll.u32 s10, $0x4;
	s10 =	ssub.s32 $0x2, s10  }
0xb: {  	p1 =	sne.s32 @!p0 s16, $0x0;
	s11 =	sor.u32 s16, s6;
	s6 =	simm.s32 $0x0  }
0xc: {  	s14 =	sshrl.u32 s10, $0x1;
	s13 =	sshrl.u32 s13, $0x2;
	s22 =	sshrl.u32 s17, $0x2  }
0xd: {  	s24 =	sadd.s32 s3, s19;
	s3 =	sadd.s32 $0x3800, s3;
	p1 =	por p1, p0  }
0xe: {  	s7 =	smul.u32 $0x1900, s11;
	[smem:$0x7FF] =	sst s6;
	s10 =	ssub.s32 s10, s14  }
0xf: {  	s20 =	sadd.s32 s13, s4;
	s23 =	sadd.s32 s22, s5;
	s13 =	sadd.s32 $0x1C000, s5  }
0x10: {  	s17 =	smul.u32 $0xC8000, s11;
	_ =	strace $0x80000047;
	[dreg:$0xd] =	wrdreg s24  }
0x11: {  	s11 =	simm.s32 $0x12E80;
	[dreg:$0xe] =	wrdreg s3;
	s25 =	smax.u32 s10, $0x1  }
0x12: {  	s26 =	sshrl.u32 s20, $0x3;
	s12 =	sshrl.u32 s7, $0x3;
	[dreg:$0x10] =	wrdreg s25  }
0x13: {  	s3 =	sadd.s32 $0x9C000, s4;
	[dreg:$0x11] =	wrdreg s26;
	s15 =	sadd.s32 s8, s12  }
0x14: {  	s9 =	sadd.s32 s12, s9;
	s12 =	sadd.s32 s1, s29;
	[dreg:$0x8] =	wrdreg s15  }
0x15: {  	s20 =	simm.s32 $0x16E80;
	s1 =	sadd.s32 $0x13800, s1;
	[dreg:$0xc] =	wrdreg s12  }
0x16: {  	s10 =	simm.s32 $0x2;
	s29 =	sshrl.u32 s23, $0x3;
	[dreg:$0xf] =	wrdreg s1  }
0x17: {  	s26 =	simm.s32 $0x1AE80;
	s15 =	sadd.s32 $0x10, s15;
	[dreg:$0x12] =	wrdreg s29  }
.Ltmp0:
0x18: {  	s18 =	sadd.s32 $0x6800, s9;
	[dreg:$0x9] =	wrdreg s15;
	(pc) =	sbr.rel .LBB2_1-.Ltmp0, $4  }
0x19: {  	s9 =	sadd.s32 $0xCC00, s9;
	s1 =	sshrl.u32 @p0 s13, $0x3;
	[dreg:$0xa] =	wrdreg s18  }
0x1a: {  	s12 =	simm.s32 $0x3;
	[dreg:$0xb] =	wrdreg s9;
	s18 =	sadd.s32 $0x180, s7  }
0x1b: {  	[dreg:$0x13] =	wrdreg s1;
	s1 =	sshrl.u32 @!p1 s3, $0x3;
	s3 =	simm.s32 $0xB  }
0x1c: {  	s15 =	simm.s32 $0x0;
	[dreg:$0x14] =	wrdreg s1;
	s1 =	simm.s32 $0x7  }
.LBB2_8:
0x1d: {  	s9 =	simm.s32 $0x9  }
0x1e: {  	_ =	swait.ge [sflag:s9], $0x4000  }
0x1f: {  	[sflag:s9] =	ssyncset.done $0x0  }
0x20: {  	s13 =	simm.s32 $0xA;
	[sflag:s9] =	ssyncadd.s32 $0xFFFFC000  }
0x21: {  	_ =	swait.ge [sflag:s13], $0x4000  }
0x22: {  	s15 =	sadd.s32 $0x1, s15;
	s29 =	rddreg [dreg:$0x10]  }
0x23: {  	p2 =	sne.s32 s15, s29  }
.Ltmp1:
0x24: {  	_ = 	snop;
	(pc) =	sbr.rel @!p2 .LBB2_9-.Ltmp1, $3  }
0x25: {  	_ =	sdelay $0x1  }
0x26: {  	[sflag:s13] =	ssyncset.done $0x0  }
0x27: {  	[sflag:s13] =	ssyncadd.s32 $0xFFFFC000  }
.LBB2_1:
0x28: {  	s9 =	rddreg [dreg:$0x8];
	s13 =	simm.s32 $0xED80  }
0x29: {  	[tilespmem:s13], [sflag:$0x1] =	stream.linear.gather [hbm4b:s9+s6], $0x80, $0x38;
	[tilespmem:$0x1EE80] =	vst v63  }
0x2a: {  	s24 =	rddreg [dreg:$0x9]  }
0x2b: {  	[tilespmem:s21], [sflag:$0x2] =	stream.linear.gather [hbm4b:s24+s6], $0x80, $0x38;
	[tilespmem:$0x1EE80] =	vst v63  }
0x2c: {  	s25 =	rddreg [dreg:$0xa];
	s16 =	simm.s32 $0xBB80  }
0x2d: {  	[tilespmem:s16], [sflag:$0x5] =	stream.linear.gather [hbm4b:s25+s6], $0x1900, $0x38;
	[tilespmem:$0x1EE80] =	vst v63  }
0x2e: {  	s29 =	rddreg [dreg:$0xb];
	s19 =	simm.s32 $0xD480;
	s14 =	simm.s32 $0x1  }
0x2f: {  	[tilespmem:s19], [sflag:$0x7] =	stream.linear.gather [hbm4b:s29+s6], $0x1900, $0x38;
	[tilespmem:$0x1EE80] =	vst v63  }
0x30: {  	s22 =	simm.s32 $0xEE80;
	s23 =	stileid.u32;
	_ =	swait.ge [sflag:s14], $0x80  }
0x31: {  	s9 =	sshll.u32 s23, $0x6;
	[sflag:s14] =	ssyncset.done $0x0;
	s24 =	rddreg [dreg:$0xc]  }
0x32: {  	s9 =	sor.u32 $0x1C0B, s9;
	[sflag:s14] =	ssyncadd.s32 $0xFFFFFF80;
	s14 =	rddreg [dreg:$0x11]  }
0x33: {  	[tilespmem:s22], [sflag:$0x3] =	stream.indirect.gather [hbm4b:s0+s30], $0x80, s13, s30, $0xb8;
	[tilespmem:$0x1EE80] =	vst v63  }
0x34: {  	[spmem:s14], [sflag:s9] =	dma.local [hbm:s24], $0x1380  }
0x35: {  	_ =	swait.ge [sflag:s3], $0x1380  }
0x36: {  	[sflag:s3] =	ssyncset.done $0x0;
	s25 =	rddreg [dreg:$0xd]  }
0x37: {  	s29 =	rddreg [dreg:$0x12];
	[sflag:s3] =	ssyncadd.s32 $0xFFFFEC80  }
0x38: {  	[spmem:s29], [sflag:s9] =	dma.local [hbm:s25], $0x380  }
0x39: {  	_ =	swait.ge [sflag:s3], $0x380  }
0x3a: {  	[sflag:s3] =	ssyncset.done $0x0;
	s13 =	rddreg [dreg:$0xe]  }
0x3b: {  	s14 =	rddreg [dreg:$0x13];
	[sflag:s3] =	ssyncadd.s32 $0xFFFFFC80  }
0x3c: {  	[spmem:s14], [sflag:s9] =	dma.local @p0 [hbm:s13], $0x680  }
0x3d: {  	s13 =	simm.s32 @p0 $0xB  }
0x3e: {  	_ =	swait.ge @p0 [sflag:s13], $0x680  }
0x3f: {  	[sflag:s13] =	ssyncset.done @p0 $0x0;
	s14 =	rddreg [dreg:$0x14]  }
0x40: {  	[sflag:s13] =	ssyncadd.s32 @p0 $0xFFFFF980;
	s13 =	rddreg [dreg:$0xf]  }
0x41: {  	[spmem:s14], [sflag:s9] =	dma.local @!p1 [hbm:s13], $0x80  }
0x42: {  	s9 =	simm.s32 @!p1 $0xB  }
0x43: {  	_ =	swait.ge @!p1 [sflag:s9], $0x80  }
0x44: {  	[sflag:s9] =	ssyncset.done @!p1 $0x0  }
0x45: {  	[sflag:s9] =	ssyncadd.s32 @!p1 $0xFFFFFF80  }
0x46: {  	[bflag:$0x0] =	sbarrier.arrive $0xFFFF  }
0x47: {  	_ =	swait.ge [sflag:s31], $0x1900  }
0x48: {  	[sflag:s31] =	ssyncset.done $0x0  }
0x49: {  	[sflag:s31] =	ssyncadd.s32 $0xFFFFE700  }
0x4a: {  	_ =	swait.ge [sflag:s1], $0x1900  }
0x4b: {  	[sflag:s1] =	ssyncset.done $0x0  }
0x4c: {  	[sflag:s1] =	ssyncadd.s32 $0xFFFFE700  }
0x4d: {  	[tilespmem:s20], [sflag:$0x5] =	stream.indirect.gather [spmem:s4], $0x80, s16, s30, $0xb8;
	[tilespmem:$0x1EE80] =	vst v63  }
0x4e: {  	_ =	swait.ge [sflag:s31], $0x4000  }
0x4f: {  	[sflag:s31] =	ssyncset.done $0x0  }
0x50: {  	s16 =	simm.s32 $0x0;
	[sflag:s31] =	ssyncadd.s32 $0xFFFFC000  }
0x51: {  	[tilespmem:s20], [sflag:$0x7] =	stream.indirect.gather.add.f32 [spmem:s5], $0x80, s19, s30, $0xb8;
	[tilespmem:$0x1EE80] =	vst v63  }
.LBB2_2:
0x52: {  	_ =	swait.ge [sflag:s10], $0x80;
	s9 =	sshll.u32 s16, $0x1  }
0x53: {  	p2 =	seq.s32 s16, $0x18;
	[sflag:s10] =	ssyncset.done $0x0;
	s19 =	sadd.s32 $0x2, s9  }
0x54: {  	[sflag:s10] =	ssyncadd.s32 $0xFFFFFF80;
	s9 =	sshll.u32 @!p2 s19, $0x7  }
0x55: {  	[tilespmem:s11], [sflag:$0x4] =	stream.indirect.gather [hbm4b:s0+s30], $0x80, s21, s30, $0xb8;
	[tilespmem:$0x1EE80] =	vst v63  }
0x56: {  	s9 =	sadd.s32 @!p2 s7, s9;
	_ =	swait.ge [sflag:s12], $0x4000  }
0x57: {  	s13 =	simm.s32 @!p2 $0x0;
	s9 =	sshrl.u32 @!p2 s9, $0x3;
	[sflag:s12] =	ssyncset.done $0x0  }
0x58: {  	s14 =	simm.s32 @!p2 $0xED80;
	s9 =	sadd.s32 @!p2 s8, s9;
	[sflag:s12] =	ssyncadd.s32 $0xFFFFC000  }
0x59: {  	[tilespmem:s14], [sflag:$0x1] =	stream.linear.gather @!p2 [hbm4b:s9+s13], $0x80, $0x38;
	[tilespmem:$0x1EE80] =	vst v63  }
0x5a: {  	_ =	swait.ge [sflag:s1], $0x4000  }
0x5b: {  	p3 =	seq.s32 s16, $0x0;
	[sflag:s1] =	ssyncset.done $0x0  }
0x5c: {  	s22 =	sshllo.u32 s16, $0x1;
	s9 =	simm.s32 @!p3 $0xA;
	[sflag:s1] =	ssyncadd.s32 $0xFFFFC000  }
0x5d: {  	s24 =	sshll.u32 s22, $0x9;
	_ =	swait.ge @!p3 [sflag:s9], $0x4000  }
0x5e: {  	s23 =	sshrl.u32 s24, $0x2;
	[sflag:s9] =	ssyncset.done @!p3 $0x0  }
0x5f: {  	s29 =	simm.s32 $0xEF80;
	s25 =	sadd.s32 $0xBB80, s23;
	[sflag:s9] =	ssyncadd.s32 @!p3 $0xFFFFC000  }
0x60: {  	[tilespmem:s26], [sflag:$0x6] =	stream.indirect.gather [spmem:s4], $0x80, s25, s30, $0xb8;
	[tilespmem:$0x1EE80] =	vst v63  }
0x61: {  	v0 =	vld [tilespmem:s29+$0x80]  }
0x62: {  	s24 =	simm.s32 $0x16F80  }
0x63: {  	v1 =	vld [tilespmem:s24+$0x80];
	_ =	sdelay $0x1  }
0x64: {  	v2 =	vld [tilespmem:s29+$0xFFFFFF80]  }
0x65: {  	v3 =	vld [tilespmem:s29+$0xFFFFFF00];
	v0 =	vmul.f32 $1.131370830e+01, v0  }
0x66: {  	v4 =	vld [tilespmem:s29+$0x0]  }
0x67: {  	v5 =	vld [tilespmem:s24+$0xFFFFFF00];
	v0 =	vadd.f32 v1, v0  }
0x68: {  	v6 =	vld [tilespmem:s24+$0x0]  }
0x69: {  	v1 =	vld [tilespmem:s24+$0xFFFFFF80];
	[tilespmem:s24+$0x80] =	vst v0  }
0x6a: {  	v0 =	vmul.f32 $1.131370830e+01, v3;
	v3 =	vld [tilespmem:s29+$0x90]  }
0x6b: {  	v4 =	vmul.f32 $1.131370830e+01, v4  }
0x6c: {  	v2 =	vmul.f32 $1.131370830e+01, v2;
	v0 =	vadd.f32 v5, v0;
	v5 =	vld [tilespmem:s24+$0x90]  }
0x6d: {  	v4 =	vadd.f32 v6, v4  }
0x6e: {  	v7 =	vld [tilespmem:s24+$0xFFFFFF10];
	v1 =	vadd.f32 v1, v2;
	[tilespmem:s24+$0xFFFFFF00] =	vst v0  }
0x6f: {  	[tilespmem:s24+$0x0] =	vst v4;
	v2 =	vld [tilespmem:s29+$0xFFFFFF10];
	v3 =	vmul.f32 $1.131370830e+01, v3  }
0x70: {  	v4 =	vld [tilespmem:s29+$0x10];
	[tilespmem:s24+$0xFFFFFF80] =	vst v1  }
0x71: {  	v1 =	vld [tilespmem:s29+$0xFFFFFF90];
	v3 =	vadd.f32 v5, v3  }
0x72: {  	v0 =	vld [tilespmem:s24+$0xFFFFFF90]  }
0x73: {  	v5 =	vld [tilespmem:s24+$0x10];
	[tilespmem:s24+$0x90] =	vst v3  }
0x74: {  	v2 =	vmul.f32 $1.131370830e+01, v2;
	v3 =	vld [tilespmem:s29+$0xA0];
	_ =	sdelay $0x1  }
0x75: {  	v1 =	vmul.f32 $1.131370830e+01, v1;
	v2 =	vadd.f32 v7, v2;
	v7 =	vld [tilespmem:s24+$0xA0]  }
0x76: {  	v4 =	vmul.f32 $1.131370830e+01, v4  }
0x77: {  	v0 =	vadd.f32 v0, v1  }
0x78: {  	v8 =	vld [tilespmem:s24+$0xFFFFFFA0];
	[tilespmem:s24+$0xFFFFFF10] =	vst v2;
	v2 =	vadd.f32 v5, v4;
	v3 =	vmul.f32 $1.131370830e+01, v3  }
0x79: {  	v9 =	vld [tilespmem:s24+$0x20];
	[tilespmem:s24+$0xFFFFFF90] =	vst v0  }
0x7a: {  	v0 =	vld [tilespmem:s29+$0xFFFFFFA0];
	[tilespmem:s24+$0x10] =	vst v2;
	v2 =	vadd.f32 v7, v3  }
0x7b: {  	v3 =	vld [tilespmem:s29+$0x20]  }
0x7c: {  	v10 =	vld [tilespmem:s24+$0xB0];
	[tilespmem:s24+$0xA0] =	vst v2  }
0x7d: {  	v2 =	vld [tilespmem:s29+$0xB0]  }
0x7e: {  	v11 =	vld [tilespmem:s24+$0xFFFFFF40]  }
0x7f: {  	v12 =	vld [tilespmem:s24+$0xFFFFFFD0];
	v0 =	vmul.f32 $1.131370830e+01, v0  }
0x80: {  	v4 =	vld [tilespmem:s29+$0xFFFFFF20];
	v3 =	vmul.f32 $1.131370830e+01, v3  }
0x81: {  	v13 =	vld [tilespmem:s24+$0xD0];
	v0 =	vadd.f32 v8, v0  }
0x82: {  	v6 =	vld [tilespmem:s24+$0xFFFFFF20];
	v3 =	vadd.f32 v9, v3;
	v2 =	vmul.f32 $1.131370830e+01, v2  }
0x83: {  	v5 =	vld [tilespmem:s24+$0xFFFFFFB0];
	[tilespmem:s24+$0xFFFFFFA0] =	vst v0  }
0x84: {  	v0 =	vld [tilespmem:s29+$0xFFFFFFB0];
	[tilespmem:s24+$0x20] =	vst v3;
	v2 =	vadd.f32 v10, v2  }
0x85: {  	v4 =	vmul.f32 $1.131370830e+01, v4;
	v3 =	vld [tilespmem:s29+$0x30]  }
0x86: {  	v7 =	vld [tilespmem:s24+$0x30];
	[tilespmem:s24+$0xB0] =	vst v2  }
0x87: {  	s25 =	simm.s32 $0xF180;
	v4 =	vadd.f32 v6, v4;
	v2 =	vld [tilespmem:s29+$0xC0]  }
0x88: {  	v14 =	vld [tilespmem:s25+$0x80]  }
0x89: {  	[tilespmem:s24+$0xFFFFFF20] =	vst v4;
	v9 =	vld [tilespmem:s24+$0xC0];
	v0 =	vmul.f32 $1.131370830e+01, v0  }
0x8a: {  	s9 =	simm.s32 $0x17180;
	v8 =	vld [tilespmem:s29+$0xFFFFFF30];
	v3 =	vmul.f32 $1.131370830e+01, v3  }
0x8b: {  	v15 =	vld [tilespmem:s9+$0x80];
	v0 =	vadd.f32 v5, v0  }
0x8c: {  	v1 =	vld [tilespmem:s24+$0xFFFFFF30];
	v3 =	vadd.f32 v7, v3;
	v2 =	vmul.f32 $1.131370830e+01, v2  }
0x8d: {  	v6 =	vld [tilespmem:s24+$0xFFFFFFC0];
	[tilespmem:s24+$0xFFFFFFB0] =	vst v0  }
0x8e: {  	v0 =	vld [tilespmem:s29+$0xFFFFFFC0];
	[tilespmem:s24+$0x30] =	vst v3;
	v2 =	vadd.f32 v9, v2  }
0x8f: {  	v8 =	vmul.f32 $1.131370830e+01, v8;
	v3 =	vld [tilespmem:s29+$0x40]  }
0x90: {  	v4 =	vld [tilespmem:s24+$0x40];
	[tilespmem:s24+$0xC0] =	vst v2  }
0x91: {  	v8 =	vadd.f32 v1, v8;
	v9 =	vld [tilespmem:s29+$0xD0]  }
0x92: {  	v16 =	vld [tilespmem:s25+$0xFFFFFF80]  }
0x93: {  	v17 =	vld [tilespmem:s25+$0x0];
	[tilespmem:s24+$0xFFFFFF30] =	vst v8  }
0x94: {  	v5 =	vld [tilespmem:s29+$0xFFFFFF40];
	v0 =	vmul.f32 $1.131370830e+01, v0;
	v3 =	vmul.f32 $1.131370830e+01, v3  }
0x95: {  	v18 =	vld [tilespmem:s9+$0xFFFFFF00]  }
0x96: {  	v19 =	vld [tilespmem:s9+$0x0];
	v0 =	vadd.f32 v6, v0;
	v3 =	vadd.f32 v4, v3;
	v4 =	vmul.f32 $1.131370830e+01, v9  }
0x97: {  	v45 =	vld [tilespmem:s9+$0xFFFFFF10]  }
0x98: {  	v20 =	vld [tilespmem:s9+$0x90];
	v14 =	vmul.f32 $1.131370830e+01, v14;
	[tilespmem:s24+$0xFFFFFFC0] =	vst v0;
	v0 =	vadd.f32 v13, v4  }
0x99: {  	v47 =	vld [tilespmem:s24+$0xF0];
	v5 =	vmul.f32 $1.131370830e+01, v5  }
0x9a: {  	v14 =	vadd.f32 v15, v14;
	v15 =	vld [tilespmem:s9+$0xFFFFFF80];
	[tilespmem:s24+$0xD0] =	vst v0  }
0x9b: {  	v5 =	vadd.f32 v11, v5;
	v11 =	vld [tilespmem:s29+$0xE0]  }
0x9c: {  	v48 =	vld [tilespmem:s9+$0x10]  }
0x9d: {  	[tilespmem:s9+$0x80] =	vst v14;
	v13 =	vld [tilespmem:s24+$0xE0]  }
0x9e: {  	v16 =	vmul.f32 $1.131370830e+01, v16;
	v14 =	vld [tilespmem:s25+$0x90]  }
0x9f: {  	v49 =	vld [tilespmem:s9+$0xFFFFFF20]  }
0xa0: {  	v22 =	vld [tilespmem:s9+$0xFFFFFFA0];
	v15 =	vadd.f32 v15, v16;
	v11 =	vmul.f32 $1.131370830e+01, v11  }
0xa1: {  	v50 =	vld [tilespmem:s9+$0x20]  }
0xa2: {  	[tilespmem:s9+$0xFFFFFF80] =	vst v15;
	v11 =	vadd.f32 v13, v11;
	v13 =	vld [tilespmem:s25+$0xFFFFFF00]  }
0xa3: {  	v15 =	vld [tilespmem:s25+$0xFFFFFF90];
	v14 =	vmul.f32 $1.131370830e+01, v14  }
0xa4: {  	v51 =	vld [tilespmem:s9+$0xA0]  }
0xa5: {  	v52 =	vld [tilespmem:s9+$0xFFFFFF30];
	v14 =	vadd.f32 v20, v14  }
0xa6: {  	v53 =	vld [tilespmem:s9+$0xFFFFFFB0]  }
0xa7: {  	v54 =	vld [tilespmem:s9+$0x30];
	[tilespmem:s9+$0x90] =	vst v14;
	v13 =	vmul.f32 $1.131370830e+01, v13  }
0xa8: {  	v14 =	vmul.f32 $1.131370830e+01, v15;
	v15 =	vld [tilespmem:s25+$0xA0]  }
0xa9: {  	v24 =	vld [tilespmem:s9+$0xFFFFFF40];
	v17 =	vmul.f32 $1.131370830e+01, v17;
	v13 =	vadd.f32 v18, v13  }
0xaa: {  	v55 =	vld [tilespmem:s9+$0xFFFFFFC0]  }
0xab: {  	v56 =	vld [tilespmem:s9+$0xB0];
	v17 =	vadd.f32 v19, v17;
	[tilespmem:s9+$0xFFFFFF00] =	vst v13  }
0xac: {  	v46 =	vld [tilespmem:s25+$0xFFFFFF10]  }
0xad: {  	v57 =	vld [tilespmem:s9+$0x40];
	[tilespmem:s9+$0x0] =	vst v17;
	v15 =	vmul.f32 $1.131370830e+01, v15  }
0xae: {  	v21 =	vld [tilespmem:s25+$0x10]  }
0xaf: {  	v15 =	vadd.f32 v51, v15;
	v13 =	vld [tilespmem:s9+$0xFFFFFF90]  }
0xb0: {  	v25 =	vld [tilespmem:s9+$0xFFFFFFD0]  }
0xb1: {  	v60 =	vld [tilespmem:s9+$0xC0];
	[tilespmem:s9+$0xA0] =	vst v15;
	v16 =	vmul.f32 $1.131370830e+01, v46  }
0xb2: {  	v15 =	vld [tilespmem:s25+$0xB0]  }
0xb3: {  	v10 =	vld [tilespmem:s24+$0xFFFFFF50];
	v16 =	vadd.f32 v45, v16  }
0xb4: {  	v1 =	vld [tilespmem:s24+$0x50];
	[tilespmem:s24+$0xFFFFFF40] =	vst v5;
	v13 =	vadd.f32 v13, v14;
	v14 =	vmul.f32 $1.131370830e+01, v21  }
0xb5: {  	v6 =	vld [tilespmem:s29+$0xFFFFFF50];
	[tilespmem:s9+$0xFFFFFF10] =	vst v16  }
0xb6: {  	[tilespmem:s9+$0xFFFFFF90] =	vst v13;
	v13 =	vadd.f32 v48, v14;
	v23 =	vld [tilespmem:s25+$0xFFFFFF20]  }
0xb7: {  	v14 =	vld [tilespmem:s25+$0xFFFFFFA0]  }
0xb8: {  	v15 =	vmul.f32 $1.131370830e+01, v15;
	v8 =	vld [tilespmem:s24+$0xFFFFFFE0];
	[tilespmem:s9+$0x10] =	vst v13  }
0xb9: {  	v13 =	vld [tilespmem:s25+$0x20]  }
0xba: {  	v15 =	vadd.f32 v56, v15;
	v7 =	vld [tilespmem:s24+$0x60];
	v6 =	vmul.f32 $1.131370830e+01, v6  }
0xbb: {  	v2 =	vld [tilespmem:s24+$0xFFFFFF60];
	v23 =	vmul.f32 $1.131370830e+01, v23  }
0xbc: {  	[tilespmem:s9+$0xB0] =	vst v15;
	v5 =	vld [tilespmem:s24+$0xFFFFFF70];
	v10 =	vadd.f32 v10, v6;
	v14 =	vmul.f32 $1.131370830e+01, v14  }
0xbd: {  	v9 =	vld [tilespmem:s29+$0xFFFFFFD0];
	[tilespmem:s24+$0x40] =	vst v3;
	v20 =	vadd.f32 v49, v23  }
0xbe: {  	v3 =	vld [tilespmem:s29+$0x50];
	[tilespmem:s24+$0xFFFFFF50] =	vst v10;
	v14 =	vadd.f32 v22, v14;
	v13 =	vmul.f32 $1.131370830e+01, v13  }
0xbf: {  	v15 =	vld [tilespmem:s29+$0xFFFFFF60];
	[tilespmem:s9+$0xFFFFFF20] =	vst v20  }
0xc0: {  	[tilespmem:s9+$0xFFFFFFA0] =	vst v14;
	v13 =	vadd.f32 v50, v13;
	v14 =	vld [tilespmem:s25+$0xFFFFFF30]  }
0xc1: {  	v58 =	vld [tilespmem:s25+$0xFFFFFFB0]  }
0xc2: {  	v4 =	vld [tilespmem:s24+$0xFFFFFFF0];
	[tilespmem:s9+$0x20] =	vst v13  }
0xc3: {  	v9 =	vmul.f32 $1.131370830e+01, v9;
	v59 =	vld [tilespmem:s25+$0x30]  }
0xc4: {  	v0 =	vld [tilespmem:s24+$0x70];
	[tilespmem:s24+$0xE0] =	vst v11;
	v15 =	vmul.f32 $1.131370830e+01, v15  }
0xc5: {  	v9 =	vadd.f32 v12, v9;
	v11 =	vld [tilespmem:s29+$0xF0];
	v14 =	vmul.f32 $1.131370830e+01, v14  }
0xc6: {  	v12 =	vld [tilespmem:s25+$0xC0];
	v15 =	vadd.f32 v2, v15;
	v10 =	vmul.f32 $1.131370830e+01, v58  }
0xc7: {  	v6 =	vld [tilespmem:s9+$0x50];
	v3 =	vmul.f32 $1.131370830e+01, v3;
	[tilespmem:s24+$0xFFFFFFD0] =	vst v9;
	v14 =	vadd.f32 v52, v14  }
0xc8: {  	v2 =	vld [tilespmem:s9+$0x60];
	[tilespmem:s24+$0xFFFFFF60] =	vst v15;
	v9 =	vadd.f32 v53, v10;
	v10 =	vmul.f32 $1.131370830e+01, v59  }
0xc9: {  	v1 =	vadd.f32 v1, v3;
	v15 =	vld [tilespmem:s9+$0xD0];
	[tilespmem:s9+$0xFFFFFF30] =	vst v14  }
0xca: {  	v11 =	vmul.f32 $1.131370830e+01, v11;
	[tilespmem:s9+$0xFFFFFFB0] =	vst v9;
	v9 =	vadd.f32 v54, v10;
	v3 =	vld [tilespmem:s25+$0xFFFFFF40]  }
0xcb: {  	[tilespmem:s24+$0x50] =	vst v1;
	v1 =	vmul.f32 $1.131370830e+01, v12;
	v10 =	vld [tilespmem:s25+$0xFFFFFFC0]  }
0xcc: {  	v11 =	vadd.f32 v47, v11;
	[tilespmem:s9+$0x30] =	vst v9;
	v14 =	vld [tilespmem:s29+$0xFFFFFFE0]  }
0xcd: {  	v16 =	vadd.f32 v60, v1;
	v12 =	vld [tilespmem:s25+$0x40]  }
0xce: {  	[tilespmem:s24+$0xF0] =	vst v11;
	v9 =	vld [tilespmem:s29+$0x60]  }
0xcf: {  	v11 =	vld [tilespmem:s9+$0xE0];
	[tilespmem:s9+$0xC0] =	vst v16;
	v61 =	vmul.f32 $1.131370830e+01, v3  }
0xd0: {  	v16 =	vld [tilespmem:s25+$0xD0];
	v10 =	vmul.f32 $1.131370830e+01, v10  }
0xd1: {  	v1 =	vld [tilespmem:s9+$0xFFFFFF60];
	v14 =	vmul.f32 $1.131370830e+01, v14;
	v17 =	vadd.f32 v24, v61  }
0xd2: {  	v13 =	vld [tilespmem:s9+$0xFFFFFF50];
	v10 =	vadd.f32 v55, v10;
	v12 =	vmul.f32 $1.131370830e+01, v12  }
0xd3: {  	v9 =	vmul.f32 $1.131370830e+01, v9;
	v8 =	vadd.f32 v8, v14;
	v14 =	vld [tilespmem:s29+$0xFFFFFF70];
	[tilespmem:s9+$0xFFFFFF40] =	vst v17  }
0xd4: {  	[tilespmem:s9+$0xFFFFFFC0] =	vst v10;
	v12 =	vadd.f32 v57, v12;
	v10 =	vld [tilespmem:s25+$0xFFFFFF50]  }
0xd5: {  	v7 =	vadd.f32 v7, v9;
	v9 =	vmul.f32 $1.131370830e+01, v16;
	[tilespmem:s24+$0xFFFFFFE0] =	vst v8;
	v8 =	vld [tilespmem:s25+$0xFFFFFFD0]  }
0xd6: {  	[tilespmem:s9+$0x40] =	vst v12;
	v12 =	vld [tilespmem:s29+$0xFFFFFFF0]  }
0xd7: {  	[tilespmem:s24+$0x60] =	vst v7;
	v9 =	vadd.f32 v15, v9;
	v62 =	vld [tilespmem:s25+$0x50]  }
0xd8: {  	v15 =	vld [tilespmem:s29+$0x70];
	v14 =	vmul.f32 $1.131370830e+01, v14  }
0xd9: {  	v7 =	vld [tilespmem:s9+$0xFFFFFF70];
	[tilespmem:s9+$0xD0] =	vst v9;
	v63 =	vmul.f32 $1.131370830e+01, v10  }
0xda: {  	v9 =	vmul.f32 $1.131370830e+01, v8;
	v14 =	vadd.f32 v5, v14;
	v10 =	vld [tilespmem:s25+$0xE0]  }
0xdb: {  	v8 =	vld [tilespmem:s9+$0xFFFFFFF0];
	v12 =	vmul.f32 $1.131370830e+01, v12;
	v17 =	vadd.f32 v13, v63  }
0xdc: {  	v3 =	vld [tilespmem:s9+$0xFFFFFFE0];
	v5 =	vadd.f32 v25, v9;
	[tilespmem:s24+$0xFFFFFF70] =	vst v14;
	v13 =	vmul.f32 $1.131370830e+01, v62  }
0xdd: {  	s13 =	simm.s32 $0x4;
	s14 =	simm.s32 $0xF380;
	s29 =	simm.s32 $0x17180;
	v9 =	vld [tilespmem:s9+$0x70];
	v4 =	vadd.f32 v4, v12;
	v12 =	vmul.f32 $1.131370830e+01, v15;
	[tilespmem:s9+$0xFFFFFF50] =	vst v17  }
.LBB2_3:
0xde: {  	v14 =	vld [tilespmem:s14+$0x80];
	s13 =	sadd.s32 $0x4, s13;
	[tilespmem:s9+$0xFFFFFFD0] =	vst v5;
	v6 =	vadd.f32 v6, v13;
	v5 =	vmov v7  }
0xdf: {  	s9 =	sadd.s32 $0x200, s9;
	v7 =	vld [tilespmem:s14+$0xFFFFFF80];
	p3 =	slt.u32 s13, $0x7C;
	v10 =	vmul.f32 $1.131370830e+01, v10;
	[tilespmem:s24+$0xFFFFFFF0] =	vst v4;
	v13 =	vadd.f32 v0, v12  }
0xe0: {  	v12 =	vld [tilespmem:s9+$0x80];
	[tilespmem:s29+$0x50] =	vst v6;
	v4 =	vmov v8  }
0xe1: {  	v6 =	vld [tilespmem:s14+$0x0];
	v8 =	vadd.f32 v11, v10;
	[tilespmem:s24+$0x70] =	vst v13;
	s24 =	smov.u32 s29;
	s29 =	smov.u32 s9  }
0xe2: {  	v10 =	vld [tilespmem:s14+$0xFFFFFF00];
	v0 =	vmov v9  }
0xe3: {  	v9 =	vld [tilespmem:s9+$0xFFFFFF00];
	v11 =	vmul.f32 $1.131370830e+01, v14;
	[tilespmem:s24+$0xE0] =	vst v8  }
0xe4: {  	v7 =	vmul.f32 $1.131370830e+01, v7;
	v8 =	vld [tilespmem:s25+$0xF0]  }
0xe5: {  	v13 =	vld [tilespmem:s9+$0xFFFFFF80];
	v11 =	vadd.f32 v12, v11  }
0xe6: {  	v6 =	vmul.f32 $1.131370830e+01, v6;
	v12 =	vld [tilespmem:s24+$0xF0]  }
0xe7: {  	v10 =	vmul.f32 $1.131370830e+01, v10;
	v14 =	vld [tilespmem:s9+$0x0];
	[tilespmem:s9+$0x80] =	vst v11  }
0xe8: {  	v11 =	vld [tilespmem:s14+$0x90]  }
0xe9: {  	v9 =	vadd.f32 v9, v10;
	v10 =	vld [tilespmem:s9+$0xFFFFFF10];
	v8 =	vmul.f32 $1.131370830e+01, v8  }
0xea: {  	v7 =	vadd.f32 v13, v7;
	v13 =	vld [tilespmem:s9+$0x90]  }
0xeb: {  	[tilespmem:s9+$0xFFFFFF00] =	vst v9;
	v9 =	vld [tilespmem:s9+$0xFFFFFF90];
	v8 =	vadd.f32 v12, v8  }
0xec: {  	v12 =	vld [tilespmem:s14+$0xFFFFFF10];
	[tilespmem:s9+$0xFFFFFF80] =	vst v7;
	v6 =	vadd.f32 v14, v6  }
0xed: {  	v7 =	vld [tilespmem:s14+$0xFFFFFF90];
	v11 =	vmul.f32 $1.131370830e+01, v11;
	[tilespmem:s24+$0xF0] =	vst v8  }
0xee: {  	[tilespmem:s9+$0x0] =	vst v6;
	v6 =	vld [tilespmem:s9+$0x10]  }
0xef: {  	v8 =	vld [tilespmem:s14+$0x10];
	v11 =	vadd.f32 v13, v11  }
0xf0: {  	v13 =	vld [tilespmem:s9+$0xFFFFFF20]  }
0xf1: {  	v12 =	vmul.f32 $1.131370830e+01, v12;
	v14 =	vld [tilespmem:s9+$0xFFFFFFA0];
	[tilespmem:s9+$0x90] =	vst v11  }
0xf2: {  	v7 =	vmul.f32 $1.131370830e+01, v7;
	v11 =	vld [tilespmem:s14+$0xA0]  }
0xf3: {  	v10 =	vadd.f32 v10, v12;
	v12 =	vld [tilespmem:s9+$0x20]  }
0xf4: {  	v7 =	vadd.f32 v9, v7;
	v8 =	vmul.f32 $1.131370830e+01, v8;
	v9 =	vld [tilespmem:s9+$0xA0]  }
0xf5: {  	[tilespmem:s9+$0xFFFFFF10] =	vst v10;
	v10 =	vld [tilespmem:s9+$0xFFFFFF30]  }
0xf6: {  	v15 =	vld [tilespmem:s14+$0xFFFFFF20];
	[tilespmem:s9+$0xFFFFFF90] =	vst v7;
	v6 =	vadd.f32 v6, v8  }
0xf7: {  	v7 =	vld [tilespmem:s14+$0xFFFFFFA0];
	v8 =	vmul.f32 $1.131370830e+01, v11  }
0xf8: {  	v11 =	vld [tilespmem:s9+$0xFFFFFFB0];
	[tilespmem:s9+$0x10] =	vst v6  }
0xf9: {  	v6 =	vld [tilespmem:s14+$0x20];
	v8 =	vadd.f32 v9, v8  }
0xfa: {  	v9 =	vld [tilespmem:s9+$0x30]  }
0xfb: {  	v15 =	vmul.f32 $1.131370830e+01, v15;
	v16 =	vld [tilespmem:s9+$0xFFFFFF40];
	[tilespmem:s9+$0xA0] =	vst v8  }
0xfc: {  	v7 =	vmul.f32 $1.131370830e+01, v7;
	v8 =	vld [tilespmem:s14+$0xB0]  }
0xfd: {  	v13 =	vadd.f32 v13, v15;
	v15 =	vld [tilespmem:s9+$0xFFFFFFC0]  }
0xfe: {  	v7 =	vadd.f32 v14, v7;
	v6 =	vmul.f32 $1.131370830e+01, v6;
	v14 =	vld [tilespmem:s9+$0xB0]  }
0xff: {  	[tilespmem:s9+$0xFFFFFF20] =	vst v13;
	v13 =	vld [tilespmem:s9+$0x40]  }
0x100: {  	v17 =	vld [tilespmem:s14+$0xFFFFFF30];
	[tilespmem:s9+$0xFFFFFFA0] =	vst v7;
	v6 =	vadd.f32 v12, v6  }
0x101: {  	v7 =	vld [tilespmem:s14+$0xFFFFFFB0];
	v8 =	vmul.f32 $1.131370830e+01, v8  }
0x102: {  	v12 =	vld [tilespmem:s9+$0xFFFFFF50];
	[tilespmem:s9+$0x20] =	vst v6  }
0x103: {  	v18 =	vld [tilespmem:s14+$0x30];
	v8 =	vadd.f32 v14, v8  }
0x104: {  	v14 =	vld [tilespmem:s9+$0xFFFFFFD0]  }
0x105: {  	v17 =	vmul.f32 $1.131370830e+01, v17;
	v6 =	vld [tilespmem:s9+$0x50];
	[tilespmem:s9+$0xB0] =	vst v8  }
0x106: {  	v7 =	vmul.f32 $1.131370830e+01, v7;
	v8 =	vld [tilespmem:s14+$0xC0]  }
0x107: {  	v10 =	vadd.f32 v10, v17;
	v17 =	vld [tilespmem:s25+$0xFFFFFF60]  }
0x108: {  	v7 =	vadd.f32 v11, v7;
	v11 =	vmul.f32 $1.131370830e+01, v18;
	v18 =	vld [tilespmem:s9+$0xC0]  }
0x109: {  	[tilespmem:s9+$0xFFFFFF30] =	vst v10;
	v10 =	vld [tilespmem:s25+$0xFFFFFFE0]  }
0x10a: {  	v19 =	vld [tilespmem:s14+$0xFFFFFF40];
	[tilespmem:s9+$0xFFFFFFB0] =	vst v7;
	v7 =	vadd.f32 v9, v11  }
0x10b: {  	v9 =	vld [tilespmem:s14+$0xFFFFFFC0];
	v8 =	vmul.f32 $1.131370830e+01, v8  }
0x10c: {  	[tilespmem:s9+$0x30] =	vst v7;
	v7 =	vmul.f32 $1.131370830e+01, v17;
	v11 =	vld [tilespmem:s25+$0x60]  }
0x10d: {  	v17 =	vld [tilespmem:s14+$0x40];
	v8 =	vadd.f32 v18, v8  }
0x10e: {  	v7 =	vadd.f32 v1, v7;
	v1 =	vld [tilespmem:s9+$0xFFFFFF60];
	v10 =	vmul.f32 $1.131370830e+01, v10  }
0x10f: {  	v18 =	vmul.f32 $1.131370830e+01, v19;
	v19 =	vld [tilespmem:s9+$0xFFFFFFE0];
	[tilespmem:s9+$0xC0] =	vst v8  }
0x110: {  	v8 =	vmul.f32 $1.131370830e+01, v9;
	v9 =	vld [tilespmem:s14+$0xD0];
	[tilespmem:s24+$0xFFFFFF60] =	vst v7;
	v3 =	vadd.f32 v3, v10  }
0x111: {  	v7 =	vadd.f32 v16, v18;
	v10 =	vld [tilespmem:s9+$0x60];
	v11 =	vmul.f32 $1.131370830e+01, v11  }
0x112: {  	v8 =	vadd.f32 v15, v8;
	v15 =	vmul.f32 $1.131370830e+01, v17;
	v16 =	vld [tilespmem:s9+$0xD0];
	[tilespmem:s24+$0xFFFFFFE0] =	vst v3  }
0x113: {  	[tilespmem:s9+$0xFFFFFF40] =	vst v7;
	v7 =	vld [tilespmem:s25+$0xFFFFFF70];
	v17 =	vadd.f32 v2, v11  }
0x114: {  	v11 =	vld [tilespmem:s14+$0xFFFFFF50];
	[tilespmem:s9+$0xFFFFFFC0] =	vst v8;
	v8 =	vadd.f32 v13, v15;
	v3 =	vmov v19  }
0x115: {  	v13 =	vld [tilespmem:s14+$0xFFFFFFD0];
	v9 =	vmul.f32 $1.131370830e+01, v9;
	[tilespmem:s24+$0x60] =	vst v17  }
0x116: {  	[tilespmem:s9+$0x40] =	vst v8;
	v15 =	vld [tilespmem:s25+$0xFFFFFFF0];
	v2 =	vmov v10  }
0x117: {  	v17 =	vld [tilespmem:s14+$0x50];
	v8 =	vadd.f32 v16, v9  }
0x118: {  	v9 =	vmul.f32 $1.131370830e+01, v7;
	v16 =	vld [tilespmem:s25+$0x70];
	s25 =	smov.u32 s14  }
.Ltmp2:
0x119: {  	v11 =	vmul.f32 $1.131370830e+01, v11;
	v7 =	vld [tilespmem:s9+$0xFFFFFF70];
	[tilespmem:s9+$0xD0] =	vst v8;
	(pc) =	sbr.rel @p3 .LBB2_3-.Ltmp2, $4  }
0x11a: {  	v13 =	vmul.f32 $1.131370830e+01, v13;
	v10 =	vld [tilespmem:s14+$0xE0];
	v9 =	vadd.f32 v5, v9  }
0x11b: {  	v12 =	vadd.f32 v12, v11;
	v8 =	vld [tilespmem:s9+$0xFFFFFFF0];
	v15 =	vmul.f32 $1.131370830e+01, v15  }
0x11c: {  	v5 =	vadd.f32 v14, v13;
	v13 =	vmul.f32 $1.131370830e+01, v17;
	v11 =	vld [tilespmem:s9+$0xE0];
	[tilespmem:s24+$0xFFFFFF70] =	vst v9  }
0x11d: {  	s14 =	sadd.s32 $0x200, s14;
	[tilespmem:s9+$0xFFFFFF50] =	vst v12;
	v9 =	vld [tilespmem:s9+$0x70];
	v4 =	vadd.f32 v4, v15;
	v12 =	vmul.f32 $1.131370830e+01, v16  }
0x11e: {  	v6 =	vadd.f32 v6, v13  }
0x11f: {  	[tilespmem:s9+$0xFFFFFFD0] =	vst v5;
	v5 =	vld [tilespmem:s25+$0xFFFFFF60]  }
0x120: {  	[tilespmem:s29+$0x50] =	vst v6;
	v6 =	vld [tilespmem:s25+$0xFFFFFFE0]  }
0x121: {  	v13 =	vld [tilespmem:s25+$0x60]  }
0x122: {  	v10 =	vmul.f32 $1.131370830e+01, v10;
	_ =	sdelay $0x1  }
0x123: {  	v10 =	vadd.f32 v11, v10;
	v5 =	vmul.f32 $1.131370830e+01, v5  }
0x124: {  	v6 =	vmul.f32 $1.131370830e+01, v6  }
0x125: {  	[tilespmem:s29+$0xE0] =	vst v10;
	v1 =	vadd.f32 v1, v5;
	v5 =	vmul.f32 $1.131370830e+01, v13  }
0x126: {  	v10 =	vld [tilespmem:s25+$0xF0];
	v3 =	vadd.f32 v3, v6  }
0x127: {  	v6 =	vld [tilespmem:s29+$0xF0];
	[tilespmem:s29+$0xFFFFFF60] =	vst v1;
	v1 =	vadd.f32 v2, v5  }
0x128: {  	v2 =	vld [tilespmem:s25+$0xFFFFFF70];
	[tilespmem:s29+$0xFFFFFFE0] =	vst v3  }
0x129: {  	[tilespmem:s29+$0x60] =	vst v1;
	v1 =	vld [tilespmem:s25+$0xFFFFFFF0]  }
0x12a: {  	v3 =	vld [tilespmem:s25+$0x70];
	_ =	sdelay $0x1  }
0x12b: {  	v5 =	vmul.f32 $1.131370830e+01, v10  }
0x12c: {  	v0 =	vadd.f32 v0, v12;
	v2 =	vmul.f32 $1.131370830e+01, v2  }
0x12d: {  	[tilespmem:s24+$0xFFFFFFF0] =	vst v4;
	v4 =	vadd.f32 v6, v5;
	v1 =	vmul.f32 $1.131370830e+01, v1  }
0x12e: {  	[tilespmem:s24+$0x70] =	vst v0;
	v0 =	vadd.f32 v7, v2;
	v2 =	vmul.f32 $1.131370830e+01, v3  }
0x12f: {  	s24 =	sshll.u32 s16, $0xF;
	[tilespmem:s29+$0xF0] =	vst v4;
	v1 =	vadd.f32 v8, v1  }
0x130: {  	s9 =	sadd.s32 s17, s24;
	[tilespmem:s29+$0xFFFFFF70] =	vst v0;
	v0 =	vadd.f32 v9, v2  }
0x131: {  	s9 =	sshrl.u32 s9, $0x3;
	[tilespmem:s29+$0xFFFFFFF0] =	vst v1  }
0x132: {  	s9 =	sadd.s32 s2, s9;
	[tilespmem:s29+$0x70] =	vst v0  }
0x133: {  	[hbm4b:s9+s6] =	stream.linear.scatter [tilespmem:s20], [sflag:$0x9], $0x4000, $0x38;
	[tilespmem:$0x1EE80] =	vst v63  }
0x134: {  	_ =	swait.ge [sflag:s28], $0x4000  }
0x135: {  	p3 =	sne.s32 s16, $0x18;
	[sflag:s28] =	ssyncset.done $0x0  }
0x136: {  	s25 =	sadd.s32 $0xD480, s23;
	s9 =	simm.s32 @p3 $0x1;
	[sflag:s28] =	ssyncadd.s32 $0xFFFFC000  }
0x137: {  	[tilespmem:s26], [sflag:$0x8] =	stream.indirect.gather.add.f32 [spmem:s5], $0x80, s25, s30, $0xb8;
	[tilespmem:$0x1EE80] =	vst v63  }
0x138: {  	_ =	swait.ge @p3 [sflag:s9], $0x80  }
0x139: {  	s13 =	simm.s32 @p3 $0xED80;
	[sflag:s9] =	ssyncset.done @p3 $0x0  }
0x13a: {  	s14 =	simm.s32 @p3 $0xEE80;
	[sflag:s9] =	ssyncadd.s32 @p3 $0xFFFFFF80;
	s9 =	simm.s32 @p3 $0x80  }
0x13b: {  	[tilespmem:s14], [sflag:$0x3] =	stream.indirect.gather @p3 [hbm4b:s0+s9], $0x80, s13, s9, $0xb8;
	[tilespmem:$0x1EE80] =	vst v63  }
0x13c: {  	s13 =	simm.s32 @p3 $0x4  }
0x13d: {  	s14 =	sshll.u32 @p3 s16, $0x8;
	_ =	swait.ge @p3 [sflag:s13], $0x4000  }
0x13e: {  	s14 =	sadd.s32 @p3 s14, s18;
	[sflag:s13] =	ssyncset.done @p3 $0x0  }
0x13f: {  	[sflag:s13] =	ssyncadd.s32 @p3 $0xFFFFC000;
	s13 =	sshrl.u32 @p3 s14, $0x3  }
0x140: {  	s23 =	simm.s32 @p3 $0xEE00;
	s14 =	simm.s32 @p3 $0x0;
	s13 =	sadd.s32 @p3 s8, s13  }
0x141: {  	[tilespmem:s23], [sflag:$0x2] =	stream.linear.gather @p3 [hbm4b:s13+s14], $0x80, $0x38;
	[tilespmem:$0x1EE80] =	vst v63  }
0x142: {  	s13 =	simm.s32 @p3 $0x8  }
0x143: {  	_ =	swait.ge @p3 [sflag:s13], $0x4000  }
0x144: {  	[sflag:s13] =	ssyncset.done @p3 $0x0  }
0x145: {  	[sflag:s13] =	ssyncadd.s32 @p3 $0xFFFFC000;
	s13 =	simm.s32 @p3 $0x9  }
0x146: {  	s14 =	sshll.u32 @p3 s19, $0x7;
	_ =	swait.ge @p3 [sflag:s13], $0x4000  }
0x147: {  	s14 =	sand.u32 @p3 $0x3FFFFF80, s14;
	[sflag:s13] =	ssyncset.done @p3 $0x0  }
0x148: {  	[sflag:s13] =	ssyncadd.s32 @p3 $0xFFFFC000;
	s13 =	sadd.s32 @p3 $0xBB80, s14;
	s14 =	simm.s32 @p3 $0x16E80  }
0x149: {  	[tilespmem:s14], [sflag:$0x5] =	stream.indirect.gather @p3 [spmem:s4], $0x80, s13, s9, $0xb8;
	[tilespmem:$0x1EE80] =	vst v63  }
0x14a: {  	s9 =	simm.s32 @!p3 $0x4  }
0x14b: {  	_ =	swait.ge @!p3 [sflag:s9], $0x4000  }
0x14c: {  	[sflag:s9] =	ssyncset.done @!p3 $0x0  }
0x14d: {  	[sflag:s9] =	ssyncadd.s32 @!p3 $0xFFFFC000;
	s9 =	simm.s32 @!p3 $0x8  }
0x14e: {  	_ =	swait.ge @!p3 [sflag:s9], $0x4000  }
0x14f: {  	[sflag:s9] =	ssyncset.done @!p3 $0x0  }
0x150: {  	s29 =	simm.s32 $0x12F80;
	[sflag:s9] =	ssyncadd.s32 @!p3 $0xFFFFC000  }
0x151: {  	v0 =	vld [tilespmem:s29+$0x80]  }
0x152: {  	s23 =	simm.s32 $0x1AF80  }
0x153: {  	v1 =	vld [tilespmem:s23+$0x80];
	_ =	sdelay $0x1  }
0x154: {  	v2 =	vld [tilespmem:s29+$0xFFFFFF80]  }
0x155: {  	v3 =	vld [tilespmem:s29+$0xFFFFFF00];
	v0 =	vmul.f32 $1.131370830e+01, v0  }
0x156: {  	v4 =	vld [tilespmem:s29+$0x0]  }
0x157: {  	v5 =	vld [tilespmem:s23+$0xFFFFFF00];
	v0 =	vadd.f32 v1, v0  }
0x158: {  	v6 =	vld [tilespmem:s23+$0x0]  }
0x159: {  	v1 =	vld [tilespmem:s23+$0xFFFFFF80];
	[tilespmem:s23+$0x80] =	vst v0  }
0x15a: {  	v0 =	vmul.f32 $1.131370830e+01, v3;
	v3 =	vld [tilespmem:s29+$0x90]  }
0x15b: {  	v4 =	vmul.f32 $1.131370830e+01, v4  }
0x15c: {  	v2 =	vmul.f32 $1.131370830e+01, v2;
	v0 =	vadd.f32 v5, v0;
	v5 =	vld [tilespmem:s23+$0x90]  }
0x15d: {  	v4 =	vadd.f32 v6, v4  }
0x15e: {  	v7 =	vld [tilespmem:s23+$0xFFFFFF10];
	v1 =	vadd.f32 v1, v2;
	[tilespmem:s23+$0xFFFFFF00] =	vst v0  }
0x15f: {  	[tilespmem:s23+$0x0] =	vst v4;
	v2 =	vld [tilespmem:s29+$0xFFFFFF10];
	v3 =	vmul.f32 $1.131370830e+01, v3  }
0x160: {  	v4 =	vld [tilespmem:s29+$0x10];
	[tilespmem:s23+$0xFFFFFF80] =	vst v1  }
0x161: {  	v1 =	vld [tilespmem:s29+$0xFFFFFF90];
	v3 =	vadd.f32 v5, v3  }
0x162: {  	v0 =	vld [tilespmem:s23+$0xFFFFFF90]  }
0x163: {  	v5 =	vld [tilespmem:s23+$0x10];
	[tilespmem:s23+$0x90] =	vst v3  }
0x164: {  	v2 =	vmul.f32 $1.131370830e+01, v2;
	v3 =	vld [tilespmem:s29+$0xA0];
	_ =	sdelay $0x1  }
0x165: {  	v1 =	vmul.f32 $1.131370830e+01, v1;
	v2 =	vadd.f32 v7, v2;
	v7 =	vld [tilespmem:s23+$0xA0]  }
0x166: {  	v4 =	vmul.f32 $1.131370830e+01, v4  }
0x167: {  	v0 =	vadd.f32 v0, v1  }
0x168: {  	v8 =	vld [tilespmem:s23+$0xFFFFFFA0];
	[tilespmem:s23+$0xFFFFFF10] =	vst v2;
	v2 =	vadd.f32 v5, v4;
	v3 =	vmul.f32 $1.131370830e+01, v3  }
0x169: {  	v9 =	vld [tilespmem:s23+$0x20];
	[tilespmem:s23+$0xFFFFFF90] =	vst v0  }
0x16a: {  	v0 =	vld [tilespmem:s29+$0xFFFFFFA0];
	[tilespmem:s23+$0x10] =	vst v2;
	v2 =	vadd.f32 v7, v3  }
0x16b: {  	v3 =	vld [tilespmem:s29+$0x20]  }
0x16c: {  	v10 =	vld [tilespmem:s23+$0xB0];
	[tilespmem:s23+$0xA0] =	vst v2  }
0x16d: {  	v2 =	vld [tilespmem:s29+$0xB0]  }
0x16e: {  	v11 =	vld [tilespmem:s23+$0xFFFFFF40]  }
0x16f: {  	v12 =	vld [tilespmem:s23+$0xFFFFFFD0];
	v0 =	vmul.f32 $1.131370830e+01, v0  }
0x170: {  	v4 =	vld [tilespmem:s29+$0xFFFFFF20];
	v3 =	vmul.f32 $1.131370830e+01, v3  }
0x171: {  	v13 =	vld [tilespmem:s23+$0xD0];
	v0 =	vadd.f32 v8, v0  }
0x172: {  	v6 =	vld [tilespmem:s23+$0xFFFFFF20];
	v3 =	vadd.f32 v9, v3;
	v2 =	vmul.f32 $1.131370830e+01, v2  }
0x173: {  	v5 =	vld [tilespmem:s23+$0xFFFFFFB0];
	[tilespmem:s23+$0xFFFFFFA0] =	vst v0  }
0x174: {  	v0 =	vld [tilespmem:s29+$0xFFFFFFB0];
	[tilespmem:s23+$0x20] =	vst v3;
	v2 =	vadd.f32 v10, v2  }
0x175: {  	v4 =	vmul.f32 $1.131370830e+01, v4;
	v3 =	vld [tilespmem:s29+$0x30]  }
0x176: {  	v7 =	vld [tilespmem:s23+$0x30];
	[tilespmem:s23+$0xB0] =	vst v2  }
0x177: {  	s24 =	simm.s32 $0x13180;
	v4 =	vadd.f32 v6, v4;
	v2 =	vld [tilespmem:s29+$0xC0]  }
0x178: {  	v14 =	vld [tilespmem:s24+$0x80]  }
0x179: {  	[tilespmem:s23+$0xFFFFFF20] =	vst v4;
	v9 =	vld [tilespmem:s23+$0xC0];
	v0 =	vmul.f32 $1.131370830e+01, v0  }
0x17a: {  	s9 =	simm.s32 $0x1B180;
	v8 =	vld [tilespmem:s29+$0xFFFFFF30];
	v3 =	vmul.f32 $1.131370830e+01, v3  }
0x17b: {  	v15 =	vld [tilespmem:s9+$0x80];
	v0 =	vadd.f32 v5, v0  }
0x17c: {  	v1 =	vld [tilespmem:s23+$0xFFFFFF30];
	v3 =	vadd.f32 v7, v3;
	v2 =	vmul.f32 $1.131370830e+01, v2  }
0x17d: {  	v6 =	vld [tilespmem:s23+$0xFFFFFFC0];
	[tilespmem:s23+$0xFFFFFFB0] =	vst v0  }
0x17e: {  	v0 =	vld [tilespmem:s29+$0xFFFFFFC0];
	[tilespmem:s23+$0x30] =	vst v3;
	v2 =	vadd.f32 v9, v2  }
0x17f: {  	v8 =	vmul.f32 $1.131370830e+01, v8;
	v3 =	vld [tilespmem:s29+$0x40]  }
0x180: {  	v4 =	vld [tilespmem:s23+$0x40];
	[tilespmem:s23+$0xC0] =	vst v2  }
0x181: {  	v8 =	vadd.f32 v1, v8;
	v9 =	vld [tilespmem:s29+$0xD0]  }
0x182: {  	v16 =	vld [tilespmem:s24+$0xFFFFFF80]  }
0x183: {  	v17 =	vld [tilespmem:s24+$0x0];
	[tilespmem:s23+$0xFFFFFF30] =	vst v8  }
0x184: {  	v5 =	vld [tilespmem:s29+$0xFFFFFF40];
	v0 =	vmul.f32 $1.131370830e+01, v0;
	v3 =	vmul.f32 $1.131370830e+01, v3  }
0x185: {  	v18 =	vld [tilespmem:s9+$0xFFFFFF00]  }
0x186: {  	v19 =	vld [tilespmem:s9+$0x0];
	v0 =	vadd.f32 v6, v0;
	v3 =	vadd.f32 v4, v3;
	v4 =	vmul.f32 $1.131370830e+01, v9  }
0x187: {  	v45 =	vld [tilespmem:s9+$0xFFFFFF10]  }
0x188: {  	v20 =	vld [tilespmem:s9+$0x90];
	v14 =	vmul.f32 $1.131370830e+01, v14;
	[tilespmem:s23+$0xFFFFFFC0] =	vst v0;
	v0 =	vadd.f32 v13, v4  }
0x189: {  	v47 =	vld [tilespmem:s23+$0xF0];
	v5 =	vmul.f32 $1.131370830e+01, v5  }
0x18a: {  	v14 =	vadd.f32 v15, v14;
	v15 =	vld [tilespmem:s9+$0xFFFFFF80];
	[tilespmem:s23+$0xD0] =	vst v0  }
0x18b: {  	v5 =	vadd.f32 v11, v5;
	v11 =	vld [tilespmem:s29+$0xE0]  }
0x18c: {  	v48 =	vld [tilespmem:s9+$0x10]  }
0x18d: {  	[tilespmem:s9+$0x80] =	vst v14;
	v13 =	vld [tilespmem:s23+$0xE0]  }
0x18e: {  	v16 =	vmul.f32 $1.131370830e+01, v16;
	v14 =	vld [tilespmem:s24+$0x90]  }
0x18f: {  	v49 =	vld [tilespmem:s9+$0xFFFFFF20]  }
0x190: {  	v22 =	vld [tilespmem:s9+$0xFFFFFFA0];
	v15 =	vadd.f32 v15, v16;
	v11 =	vmul.f32 $1.131370830e+01, v11  }
0x191: {  	v50 =	vld [tilespmem:s9+$0x20]  }
0x192: {  	[tilespmem:s9+$0xFFFFFF80] =	vst v15;
	v11 =	vadd.f32 v13, v11;
	v13 =	vld [tilespmem:s24+$0xFFFFFF00]  }
0x193: {  	v15 =	vld [tilespmem:s24+$0xFFFFFF90];
	v14 =	vmul.f32 $1.131370830e+01, v14  }
0x194: {  	v51 =	vld [tilespmem:s9+$0xA0]  }
0x195: {  	v52 =	vld [tilespmem:s9+$0xFFFFFF30];
	v14 =	vadd.f32 v20, v14  }
0x196: {  	v53 =	vld [tilespmem:s9+$0xFFFFFFB0]  }
0x197: {  	v54 =	vld [tilespmem:s9+$0x30];
	[tilespmem:s9+$0x90] =	vst v14;
	v13 =	vmul.f32 $1.131370830e+01, v13  }
0x198: {  	v14 =	vmul.f32 $1.131370830e+01, v15;
	v15 =	vld [tilespmem:s24+$0xA0]  }
0x199: {  	v24 =	vld [tilespmem:s9+$0xFFFFFF40];
	v17 =	vmul.f32 $1.131370830e+01, v17;
	v13 =	vadd.f32 v18, v13  }
0x19a: {  	v55 =	vld [tilespmem:s9+$0xFFFFFFC0]  }
0x19b: {  	v56 =	vld [tilespmem:s9+$0xB0];
	v17 =	vadd.f32 v19, v17;
	[tilespmem:s9+$0xFFFFFF00] =	vst v13  }
0x19c: {  	v46 =	vld [tilespmem:s24+$0xFFFFFF10]  }
0x19d: {  	v57 =	vld [tilespmem:s9+$0x40];
	[tilespmem:s9+$0x0] =	vst v17;
	v15 =	vmul.f32 $1.131370830e+01, v15  }
0x19e: {  	v21 =	vld [tilespmem:s24+$0x10]  }
0x19f: {  	v15 =	vadd.f32 v51, v15;
	v13 =	vld [tilespmem:s9+$0xFFFFFF90]  }
0x1a0: {  	v25 =	vld [tilespmem:s9+$0xFFFFFFD0]  }
0x1a1: {  	v60 =	vld [tilespmem:s9+$0xC0];
	[tilespmem:s9+$0xA0] =	vst v15;
	v16 =	vmul.f32 $1.131370830e+01, v46  }
0x1a2: {  	v15 =	vld [tilespmem:s24+$0xB0]  }
0x1a3: {  	v10 =	vld [tilespmem:s23+$0xFFFFFF50];
	v16 =	vadd.f32 v45, v16  }
0x1a4: {  	v1 =	vld [tilespmem:s23+$0x50];
	[tilespmem:s23+$0xFFFFFF40] =	vst v5;
	v13 =	vadd.f32 v13, v14;
	v14 =	vmul.f32 $1.131370830e+01, v21  }
0x1a5: {  	v6 =	vld [tilespmem:s29+$0xFFFFFF50];
	[tilespmem:s9+$0xFFFFFF10] =	vst v16  }
0x1a6: {  	[tilespmem:s9+$0xFFFFFF90] =	vst v13;
	v13 =	vadd.f32 v48, v14;
	v23 =	vld [tilespmem:s24+$0xFFFFFF20]  }
0x1a7: {  	v14 =	vld [tilespmem:s24+$0xFFFFFFA0]  }
0x1a8: {  	v15 =	vmul.f32 $1.131370830e+01, v15;
	v8 =	vld [tilespmem:s23+$0xFFFFFFE0];
	[tilespmem:s9+$0x10] =	vst v13  }
0x1a9: {  	v13 =	vld [tilespmem:s24+$0x20]  }
0x1aa: {  	v15 =	vadd.f32 v56, v15;
	v7 =	vld [tilespmem:s23+$0x60];
	v6 =	vmul.f32 $1.131370830e+01, v6  }
0x1ab: {  	v2 =	vld [tilespmem:s23+$0xFFFFFF60];
	v23 =	vmul.f32 $1.131370830e+01, v23  }
0x1ac: {  	[tilespmem:s9+$0xB0] =	vst v15;
	v5 =	vld [tilespmem:s23+$0xFFFFFF70];
	v10 =	vadd.f32 v10, v6;
	v14 =	vmul.f32 $1.131370830e+01, v14  }
0x1ad: {  	v9 =	vld [tilespmem:s29+$0xFFFFFFD0];
	[tilespmem:s23+$0x40] =	vst v3;
	v20 =	vadd.f32 v49, v23  }
0x1ae: {  	v3 =	vld [tilespmem:s29+$0x50];
	[tilespmem:s23+$0xFFFFFF50] =	vst v10;
	v14 =	vadd.f32 v22, v14;
	v13 =	vmul.f32 $1.131370830e+01, v13  }
0x1af: {  	v15 =	vld [tilespmem:s29+$0xFFFFFF60];
	[tilespmem:s9+$0xFFFFFF20] =	vst v20  }
0x1b0: {  	[tilespmem:s9+$0xFFFFFFA0] =	vst v14;
	v13 =	vadd.f32 v50, v13;
	v14 =	vld [tilespmem:s24+$0xFFFFFF30]  }
0x1b1: {  	v58 =	vld [tilespmem:s24+$0xFFFFFFB0]  }
0x1b2: {  	v4 =	vld [tilespmem:s23+$0xFFFFFFF0];
	[tilespmem:s9+$0x20] =	vst v13  }
0x1b3: {  	v9 =	vmul.f32 $1.131370830e+01, v9;
	v59 =	vld [tilespmem:s24+$0x30]  }
0x1b4: {  	v0 =	vld [tilespmem:s23+$0x70];
	[tilespmem:s23+$0xE0] =	vst v11;
	v15 =	vmul.f32 $1.131370830e+01, v15  }
0x1b5: {  	v9 =	vadd.f32 v12, v9;
	v11 =	vld [tilespmem:s29+$0xF0];
	v14 =	vmul.f32 $1.131370830e+01, v14  }
0x1b6: {  	v12 =	vld [tilespmem:s24+$0xC0];
	v15 =	vadd.f32 v2, v15;
	v10 =	vmul.f32 $1.131370830e+01, v58  }
0x1b7: {  	v6 =	vld [tilespmem:s9+$0x50];
	v3 =	vmul.f32 $1.131370830e+01, v3;
	[tilespmem:s23+$0xFFFFFFD0] =	vst v9;
	v14 =	vadd.f32 v52, v14  }
0x1b8: {  	v2 =	vld [tilespmem:s9+$0x60];
	[tilespmem:s23+$0xFFFFFF60] =	vst v15;
	v9 =	vadd.f32 v53, v10;
	v10 =	vmul.f32 $1.131370830e+01, v59  }
0x1b9: {  	v1 =	vadd.f32 v1, v3;
	v15 =	vld [tilespmem:s9+$0xD0];
	[tilespmem:s9+$0xFFFFFF30] =	vst v14  }
0x1ba: {  	v11 =	vmul.f32 $1.131370830e+01, v11;
	[tilespmem:s9+$0xFFFFFFB0] =	vst v9;
	v9 =	vadd.f32 v54, v10;
	v3 =	vld [tilespmem:s24+$0xFFFFFF40]  }
0x1bb: {  	[tilespmem:s23+$0x50] =	vst v1;
	v1 =	vmul.f32 $1.131370830e+01, v12;
	v10 =	vld [tilespmem:s24+$0xFFFFFFC0]  }
0x1bc: {  	v11 =	vadd.f32 v47, v11;
	[tilespmem:s9+$0x30] =	vst v9;
	v14 =	vld [tilespmem:s29+$0xFFFFFFE0]  }
0x1bd: {  	v16 =	vadd.f32 v60, v1;
	v12 =	vld [tilespmem:s24+$0x40]  }
0x1be: {  	[tilespmem:s23+$0xF0] =	vst v11;
	v9 =	vld [tilespmem:s29+$0x60]  }
0x1bf: {  	v11 =	vld [tilespmem:s9+$0xE0];
	[tilespmem:s9+$0xC0] =	vst v16;
	v61 =	vmul.f32 $1.131370830e+01, v3  }
0x1c0: {  	v16 =	vld [tilespmem:s24+$0xD0];
	v10 =	vmul.f32 $1.131370830e+01, v10  }
0x1c1: {  	v1 =	vld [tilespmem:s9+$0xFFFFFF60];
	v14 =	vmul.f32 $1.131370830e+01, v14;
	v17 =	vadd.f32 v24, v61  }
0x1c2: {  	v13 =	vld [tilespmem:s9+$0xFFFFFF50];
	v10 =	vadd.f32 v55, v10;
	v12 =	vmul.f32 $1.131370830e+01, v12  }
0x1c3: {  	v9 =	vmul.f32 $1.131370830e+01, v9;
	v8 =	vadd.f32 v8, v14;
	v14 =	vld [tilespmem:s29+$0xFFFFFF70];
	[tilespmem:s9+$0xFFFFFF40] =	vst v17  }
0x1c4: {  	[tilespmem:s9+$0xFFFFFFC0] =	vst v10;
	v12 =	vadd.f32 v57, v12;
	v10 =	vld [tilespmem:s24+$0xFFFFFF50]  }
0x1c5: {  	v7 =	vadd.f32 v7, v9;
	v9 =	vmul.f32 $1.131370830e+01, v16;
	[tilespmem:s23+$0xFFFFFFE0] =	vst v8;
	v8 =	vld [tilespmem:s24+$0xFFFFFFD0]  }
0x1c6: {  	[tilespmem:s9+$0x40] =	vst v12;
	v12 =	vld [tilespmem:s29+$0xFFFFFFF0]  }
0x1c7: {  	[tilespmem:s23+$0x60] =	vst v7;
	v9 =	vadd.f32 v15, v9;
	v62 =	vld [tilespmem:s24+$0x50]  }
0x1c8: {  	v15 =	vld [tilespmem:s29+$0x70];
	v14 =	vmul.f32 $1.131370830e+01, v14  }
0x1c9: {  	v7 =	vld [tilespmem:s9+$0xFFFFFF70];
	[tilespmem:s9+$0xD0] =	vst v9;
	v63 =	vmul.f32 $1.131370830e+01, v10  }
0x1ca: {  	v9 =	vmul.f32 $1.131370830e+01, v8;
	v14 =	vadd.f32 v5, v14;
	v10 =	vld [tilespmem:s24+$0xE0]  }
0x1cb: {  	v8 =	vld [tilespmem:s9+$0xFFFFFFF0];
	v12 =	vmul.f32 $1.131370830e+01, v12;
	v17 =	vadd.f32 v13, v63  }
0x1cc: {  	v3 =	vld [tilespmem:s9+$0xFFFFFFE0];
	v5 =	vadd.f32 v25, v9;
	[tilespmem:s23+$0xFFFFFF70] =	vst v14;
	v13 =	vmul.f32 $1.131370830e+01, v62  }
0x1cd: {  	s25 =	simm.s32 $0x1B180;
	s13 =	simm.s32 $0x4;
	s14 =	simm.s32 $0x13380;
	v9 =	vld [tilespmem:s9+$0x70];
	v4 =	vadd.f32 v4, v12;
	v12 =	vmul.f32 $1.131370830e+01, v15;
	[tilespmem:s9+$0xFFFFFF50] =	vst v17  }
.LBB2_5:
0x1ce: {  	v14 =	vld [tilespmem:s14+$0x80];
	s13 =	sadd.s32 $0x4, s13;
	[tilespmem:s9+$0xFFFFFFD0] =	vst v5;
	v6 =	vadd.f32 v6, v13;
	v5 =	vmov v7  }
0x1cf: {  	s9 =	sadd.s32 $0x200, s9;
	v7 =	vld [tilespmem:s14+$0xFFFFFF80];
	p3 =	slt.u32 s13, $0x7C;
	v10 =	vmul.f32 $1.131370830e+01, v10;
	[tilespmem:s23+$0xFFFFFFF0] =	vst v4;
	v13 =	vadd.f32 v0, v12  }
0x1d0: {  	v12 =	vld [tilespmem:s9+$0x80];
	[tilespmem:s25+$0x50] =	vst v6;
	v4 =	vmov v8  }
0x1d1: {  	v6 =	vld [tilespmem:s14+$0x0];
	v8 =	vadd.f32 v11, v10;
	[tilespmem:s23+$0x70] =	vst v13;
	s23 =	smov.u32 s25;
	s25 =	smov.u32 s9  }
0x1d2: {  	v10 =	vld [tilespmem:s14+$0xFFFFFF00];
	v0 =	vmov v9  }
0x1d3: {  	v9 =	vld [tilespmem:s9+$0xFFFFFF00];
	v11 =	vmul.f32 $1.131370830e+01, v14;
	[tilespmem:s23+$0xE0] =	vst v8  }
0x1d4: {  	v7 =	vmul.f32 $1.131370830e+01, v7;
	v8 =	vld [tilespmem:s24+$0xF0]  }
0x1d5: {  	v13 =	vld [tilespmem:s9+$0xFFFFFF80];
	v11 =	vadd.f32 v12, v11  }
0x1d6: {  	v6 =	vmul.f32 $1.131370830e+01, v6;
	v12 =	vld [tilespmem:s23+$0xF0]  }
0x1d7: {  	v10 =	vmul.f32 $1.131370830e+01, v10;
	v14 =	vld [tilespmem:s9+$0x0];
	[tilespmem:s9+$0x80] =	vst v11  }
0x1d8: {  	v11 =	vld [tilespmem:s14+$0x90]  }
0x1d9: {  	v9 =	vadd.f32 v9, v10;
	v10 =	vld [tilespmem:s9+$0xFFFFFF10];
	v8 =	vmul.f32 $1.131370830e+01, v8  }
0x1da: {  	v7 =	vadd.f32 v13, v7;
	v13 =	vld [tilespmem:s9+$0x90]  }
0x1db: {  	[tilespmem:s9+$0xFFFFFF00] =	vst v9;
	v9 =	vld [tilespmem:s9+$0xFFFFFF90];
	v8 =	vadd.f32 v12, v8  }
0x1dc: {  	v12 =	vld [tilespmem:s14+$0xFFFFFF10];
	[tilespmem:s9+$0xFFFFFF80] =	vst v7;
	v6 =	vadd.f32 v14, v6  }
0x1dd: {  	v7 =	vld [tilespmem:s14+$0xFFFFFF90];
	v11 =	vmul.f32 $1.131370830e+01, v11;
	[tilespmem:s23+$0xF0] =	vst v8  }
0x1de: {  	[tilespmem:s9+$0x0] =	vst v6;
	v6 =	vld [tilespmem:s9+$0x10]  }
0x1df: {  	v8 =	vld [tilespmem:s14+$0x10];
	v11 =	vadd.f32 v13, v11  }
0x1e0: {  	v13 =	vld [tilespmem:s9+$0xFFFFFF20]  }
0x1e1: {  	v12 =	vmul.f32 $1.131370830e+01, v12;
	v14 =	vld [tilespmem:s9+$0xFFFFFFA0];
	[tilespmem:s9+$0x90] =	vst v11  }
0x1e2: {  	v7 =	vmul.f32 $1.131370830e+01, v7;
	v11 =	vld [tilespmem:s14+$0xA0]  }
0x1e3: {  	v10 =	vadd.f32 v10, v12;
	v12 =	vld [tilespmem:s9+$0x20]  }
0x1e4: {  	v7 =	vadd.f32 v9, v7;
	v8 =	vmul.f32 $1.131370830e+01, v8;
	v9 =	vld [tilespmem:s9+$0xA0]  }
0x1e5: {  	[tilespmem:s9+$0xFFFFFF10] =	vst v10;
	v10 =	vld [tilespmem:s9+$0xFFFFFF30]  }
0x1e6: {  	v15 =	vld [tilespmem:s14+$0xFFFFFF20];
	[tilespmem:s9+$0xFFFFFF90] =	vst v7;
	v6 =	vadd.f32 v6, v8  }
0x1e7: {  	v7 =	vld [tilespmem:s14+$0xFFFFFFA0];
	v8 =	vmul.f32 $1.131370830e+01, v11  }
0x1e8: {  	v11 =	vld [tilespmem:s9+$0xFFFFFFB0];
	[tilespmem:s9+$0x10] =	vst v6  }
0x1e9: {  	v6 =	vld [tilespmem:s14+$0x20];
	v8 =	vadd.f32 v9, v8  }
0x1ea: {  	v9 =	vld [tilespmem:s9+$0x30]  }
0x1eb: {  	v15 =	vmul.f32 $1.131370830e+01, v15;
	v16 =	vld [tilespmem:s9+$0xFFFFFF40];
	[tilespmem:s9+$0xA0] =	vst v8  }
0x1ec: {  	v7 =	vmul.f32 $1.131370830e+01, v7;
	v8 =	vld [tilespmem:s14+$0xB0]  }
0x1ed: {  	v13 =	vadd.f32 v13, v15;
	v15 =	vld [tilespmem:s9+$0xFFFFFFC0]  }
0x1ee: {  	v7 =	vadd.f32 v14, v7;
	v6 =	vmul.f32 $1.131370830e+01, v6;
	v14 =	vld [tilespmem:s9+$0xB0]  }
0x1ef: {  	[tilespmem:s9+$0xFFFFFF20] =	vst v13;
	v13 =	vld [tilespmem:s9+$0x40]  }
0x1f0: {  	v17 =	vld [tilespmem:s14+$0xFFFFFF30];
	[tilespmem:s9+$0xFFFFFFA0] =	vst v7;
	v6 =	vadd.f32 v12, v6  }
0x1f1: {  	v7 =	vld [tilespmem:s14+$0xFFFFFFB0];
	v8 =	vmul.f32 $1.131370830e+01, v8  }
0x1f2: {  	v12 =	vld [tilespmem:s9+$0xFFFFFF50];
	[tilespmem:s9+$0x20] =	vst v6  }
0x1f3: {  	v18 =	vld [tilespmem:s14+$0x30];
	v8 =	vadd.f32 v14, v8  }
0x1f4: {  	v14 =	vld [tilespmem:s9+$0xFFFFFFD0]  }
0x1f5: {  	v17 =	vmul.f32 $1.131370830e+01, v17;
	v6 =	vld [tilespmem:s9+$0x50];
	[tilespmem:s9+$0xB0] =	vst v8  }
0x1f6: {  	v7 =	vmul.f32 $1.131370830e+01, v7;
	v8 =	vld [tilespmem:s14+$0xC0]  }
0x1f7: {  	v10 =	vadd.f32 v10, v17;
	v17 =	vld [tilespmem:s24+$0xFFFFFF60]  }
0x1f8: {  	v7 =	vadd.f32 v11, v7;
	v11 =	vmul.f32 $1.131370830e+01, v18;
	v18 =	vld [tilespmem:s9+$0xC0]  }
0x1f9: {  	[tilespmem:s9+$0xFFFFFF30] =	vst v10;
	v10 =	vld [tilespmem:s24+$0xFFFFFFE0]  }
0x1fa: {  	v19 =	vld [tilespmem:s14+$0xFFFFFF40];
	[tilespmem:s9+$0xFFFFFFB0] =	vst v7;
	v7 =	vadd.f32 v9, v11  }
0x1fb: {  	v9 =	vld [tilespmem:s14+$0xFFFFFFC0];
	v8 =	vmul.f32 $1.131370830e+01, v8  }
0x1fc: {  	[tilespmem:s9+$0x30] =	vst v7;
	v7 =	vmul.f32 $1.131370830e+01, v17;
	v11 =	vld [tilespmem:s24+$0x60]  }
0x1fd: {  	v17 =	vld [tilespmem:s14+$0x40];
	v8 =	vadd.f32 v18, v8  }
0x1fe: {  	v7 =	vadd.f32 v1, v7;
	v1 =	vld [tilespmem:s9+$0xFFFFFF60];
	v10 =	vmul.f32 $1.131370830e+01, v10  }
0x1ff: {  	v18 =	vmul.f32 $1.131370830e+01, v19;
	v19 =	vld [tilespmem:s9+$0xFFFFFFE0];
	[tilespmem:s9+$0xC0] =	vst v8  }
0x200: {  	v8 =	vmul.f32 $1.131370830e+01, v9;
	v9 =	vld [tilespmem:s14+$0xD0];
	[tilespmem:s23+$0xFFFFFF60] =	vst v7;
	v3 =	vadd.f32 v3, v10  }
0x201: {  	v7 =	vadd.f32 v16, v18;
	v10 =	vld [tilespmem:s9+$0x60];
	v11 =	vmul.f32 $1.131370830e+01, v11  }
0x202: {  	v8 =	vadd.f32 v15, v8;
	v15 =	vmul.f32 $1.131370830e+01, v17;
	v16 =	vld [tilespmem:s9+$0xD0];
	[tilespmem:s23+$0xFFFFFFE0] =	vst v3  }
0x203: {  	[tilespmem:s9+$0xFFFFFF40] =	vst v7;
	v7 =	vld [tilespmem:s24+$0xFFFFFF70];
	v17 =	vadd.f32 v2, v11  }
0x204: {  	v11 =	vld [tilespmem:s14+$0xFFFFFF50];
	[tilespmem:s9+$0xFFFFFFC0] =	vst v8;
	v8 =	vadd.f32 v13, v15;
	v3 =	vmov v19  }
0x205: {  	v13 =	vld [tilespmem:s14+$0xFFFFFFD0];
	v9 =	vmul.f32 $1.131370830e+01, v9;
	[tilespmem:s23+$0x60] =	vst v17  }
0x206: {  	[tilespmem:s9+$0x40] =	vst v8;
	v15 =	vld [tilespmem:s24+$0xFFFFFFF0];
	v2 =	vmov v10  }
0x207: {  	v17 =	vld [tilespmem:s14+$0x50];
	v8 =	vadd.f32 v16, v9  }
0x208: {  	v9 =	vmul.f32 $1.131370830e+01, v7;
	v16 =	vld [tilespmem:s24+$0x70];
	s24 =	smov.u32 s14  }
.Ltmp3:
0x209: {  	v11 =	vmul.f32 $1.131370830e+01, v11;
	v7 =	vld [tilespmem:s9+$0xFFFFFF70];
	[tilespmem:s9+$0xD0] =	vst v8;
	(pc) =	sbr.rel @p3 .LBB2_5-.Ltmp3, $4  }
0x20a: {  	v13 =	vmul.f32 $1.131370830e+01, v13;
	v10 =	vld [tilespmem:s14+$0xE0];
	v9 =	vadd.f32 v5, v9  }
0x20b: {  	v12 =	vadd.f32 v12, v11;
	v8 =	vld [tilespmem:s9+$0xFFFFFFF0];
	v15 =	vmul.f32 $1.131370830e+01, v15  }
0x20c: {  	v5 =	vadd.f32 v14, v13;
	v13 =	vmul.f32 $1.131370830e+01, v17;
	v11 =	vld [tilespmem:s9+$0xE0];
	[tilespmem:s23+$0xFFFFFF70] =	vst v9  }
0x20d: {  	s14 =	sadd.s32 $0x200, s14;
	[tilespmem:s9+$0xFFFFFF50] =	vst v12;
	v9 =	vld [tilespmem:s9+$0x70];
	v4 =	vadd.f32 v4, v15;
	v12 =	vmul.f32 $1.131370830e+01, v16  }
0x20e: {  	v6 =	vadd.f32 v6, v13  }
0x20f: {  	[tilespmem:s9+$0xFFFFFFD0] =	vst v5;
	v50 =	vld [tilespmem:s24+$0xFFFFFF60]  }
0x210: {  	v51 =	vld [tilespmem:s24+$0xFFFFFFE0];
	[tilespmem:s25+$0x50] =	vst v6  }
0x211: {  	v52 =	vld [tilespmem:s24+$0x60];
	_ =	sdelay $0x1  }
0x212: {  	v10 =	vmul.f32 $1.131370830e+01, v10  }
0x213: {  	v5 =	vmul.f32 $1.131370830e+01, v50  }
0x214: {  	v10 =	vadd.f32 v11, v10;
	v6 =	vmul.f32 $1.131370830e+01, v51  }
0x215: {  	v1 =	vadd.f32 v1, v5;
	v53 =	vmul.f32 $1.131370830e+01, v52  }
0x216: {  	v54 =	vld [tilespmem:s25+$0xF0];
	[tilespmem:s25+$0xE0] =	vst v10;
	v3 =	vadd.f32 v3, v6  }
0x217: {  	v10 =	vld [tilespmem:s24+$0xF0];
	[tilespmem:s25+$0xFFFFFF60] =	vst v1;
	v55 =	vadd.f32 v2, v53  }
0x218: {  	[tilespmem:s25+$0xFFFFFFE0] =	vst v3;
	v56 =	vld [tilespmem:s24+$0xFFFFFF70]  }
0x219: {  	v57 =	vld [tilespmem:s24+$0xFFFFFFF0];
	[tilespmem:s25+$0x60] =	vst v55  }
0x21a: {  	v58 =	vld [tilespmem:s24+$0x70];
	_ =	sdelay $0x1  }
0x21b: {  	v59 =	vmul.f32 $1.131370830e+01, v10  }
0x21c: {  	v0 =	vadd.f32 v0, v12;
	v2 =	vmul.f32 $1.131370830e+01, v56  }
0x21d: {  	[tilespmem:s23+$0xFFFFFFF0] =	vst v4;
	v60 =	vadd.f32 v54, v59;
	v1 =	vmul.f32 $1.131370830e+01, v57  }
0x21e: {  	[tilespmem:s23+$0x70] =	vst v0;
	v61 =	vadd.f32 v7, v2;
	v62 =	vmul.f32 $1.131370830e+01, v58  }
.Ltmp4:
0x21f: {  	s29 =	sshll.u32 s22, $0xE;
	[tilespmem:s25+$0xF0] =	vst v60;
	v1 =	vadd.f32 v8, v1;
	(pc) =	sbr.rel @p2 .LBB2_8-.Ltmp4, $4  }
0x220: {  	s9 =	sadd.s32 s17, s29;
	[tilespmem:s25+$0xFFFFFF70] =	vst v61;
	v63 =	vadd.f32 v9, v62  }
0x221: {  	s9 =	sshrl.u32 s9, $0x3;
	[tilespmem:s25+$0xFFFFFFF0] =	vst v1  }
0x222: {  	s9 =	sadd.s32 s2, s9;
	[tilespmem:s25+$0x70] =	vst v63  }
0x223: {  	[hbm4b:s9+s6] =	stream.linear.scatter [tilespmem:s26], [sflag:$0xA], $0x4000, $0x38;
	[tilespmem:$0x1EE80] =	vst v63  }
.Ltmp5:
0x224: {  	(pc) =	sbr.rel .LBB2_2-.Ltmp5, $4  }
0x225: {  	_ =	swait.ge [sflag:s31], $0x4000;
	s9 =	sshll.u32 s19, $0x7  }
0x226: {  	[sflag:s31] =	ssyncset.done $0x0;
	s9 =	sand.u32 $0x3FFFFF80, s9  }
0x227: {  	s16 =	sadd.s32 $0x1, s16;
	[sflag:s31] =	ssyncadd.s32 $0xFFFFC000;
	s9 =	sadd.s32 $0xD480, s9  }
0x228: {  	[tilespmem:s20], [sflag:$0x7] =	stream.indirect.gather.add.f32 [spmem:s5], $0x80, s9, s30, $0xb8;
	[tilespmem:$0x1EE80] =	vst v63  }
.LBB2_9:
0x229: {  	_ =	sfence.sel $0x180000  }
0x22a: {  	[bflag:$0x0] =	sbarrier.arrive $0xFFFF  }
0x22b: {  	_ =	strace $0x90000047  }
0x22c: {  	s0 =	stileid.u32;
	[bflag:$0x2] =	sbarrier.arrive $0xFFFF  }
0x22d: {  	p0 =	sne.s32 s0, $0x0;
	s0 =	rddreg [dreg:$0x7]  }
0x22e: {  	s0 =	sadd.s32 @!p0 $0x100000, s0  }
0x22f: {  	[sflag:s0] =	ssyncadd.tile.s32 @!p0 $0x1;
	_ =	shalt  }
.Lfunc_end2:
_tile_overlayer_lowered:
.L_overlay_start_2:
0x230: {  	(tag) =	ssettag $0x2  }
0x231: {  	s0 =	rddreg [dreg:$0x0];
	s2 =	stileid.u32  }
0x232: {  	s1 =	rddreg [dreg:$0x1];
	p0 =	sne.s32 s2, $0x0  }
0x233: {  	s3 =	rddreg [dreg:$0x2];
	[bflag:$0x3] =	sbarrier.arrive $0xFFFF;
	s2 =	simm.s32 @!p0 $0x1C0B  }
0x234: {  	[timem:s3], [sflag:s2] =	dma.local @!p0 [hbm:s0], s1  }
0x235: {  	s0 =	simm.s32 @!p0 $0xB  }
0x236: {  	_ =	swait.ge @!p0 [sflag:s0], s1  }
0x237: {  	s1 =	ssub.s32 @!p0 $0x0, s1;
	[sflag:s0] =	ssyncset.done @!p0 $0x0  }
0x238: {  	[sflag:s0] =	ssyncadd.s32 @!p0 s1  }
0x239: {  	[bflag:$0x3] =	sbarrier.arrive $0xFFFF  }
0x23a: {  	_ =	shalt  }

</sc_bundles>
